<compile_context>
chip_gen: v7x
topology: tpu7x:2x2x1
jax: 0.10.2.dev20260603
libtpu: 0.0.44.dev20260713+nightly
codegen_flags: <defaults>
</compile_context>

<pallas_src>
import functools

import jax
import jax.numpy as jnp
from jax import lax
from jax.experimental import pallas as pl
from jax.experimental.pallas import tpu as pltpu
from jax.experimental.pallas import tpu_sc as plsc

N = 10000
E = 320000
D = 128

NC = 2
NS = 16
K = 128
CH0 = 128
CH1 = 32
CHD = 80
WIN = 32
CPAD = NS * (CH0 + CH1)
EP = CPAD * K
NP = 10240
RPS = NP // NS
BR = 1000
GRID = N // BR



def _sc_deg_body(dst_hbm, zeros_hbm, ones_hbm, deg_out, deg_sh, dst_v, rows_v):
    c = lax.axis_index("c")
    s = lax.axis_index("s")
    wid = s * NC + c
    row0 = s * RPS

    pltpu.sync_copy(zeros_hbm, deg_sh.at[pl.ds(row0, RPS)])
    plsc.subcore_barrier()

    pltpu.sync_copy(ones_hbm, rows_v)
    pltpu.sync_copy(dst_hbm.at[wid], dst_v)

    def step(i, _):
        pltpu.sync_copy(rows_v, deg_sh.at[dst_v.at[i]], add=True)
        return 0

    lax.fori_loop(0, CHD, step, 0)
    plsc.subcore_barrier()

    pltpu.sync_copy(deg_sh.at[pl.ds(row0, RPS)],
                    deg_out.at[c, pl.ds(row0, RPS)])


@functools.lru_cache(maxsize=None)
def _make_sc_deg():
    mesh = plsc.VectorSubcoreMesh(core_axis_name="c", subcore_axis_name="s")
    return pl.kernel(
        _sc_deg_body,
        mesh=mesh,
        out_type=[jax.ShapeDtypeStruct((NC, NP, D), jnp.float32)],
        scratch_types=[
            pltpu.VMEM_SHARED((NP, D), jnp.float32),
            pltpu.VMEM((CHD, K), jnp.int32),
            pltpu.VMEM((K, D), jnp.float32),
        ],
    )


def _sc_agg_body(y_hbm, src_hbm, dst_hbm, zeros_hbm,
                 z_out, z_sh, src_w, dst_w, rows0, rows1, sem0, sem1):
    c = lax.axis_index("c")
    s = lax.axis_index("s")
    row0 = s * RPS
    nw = jnp.where(c == 0, CH0 // WIN, CH1 // WIN)
    base = jnp.where(c == 0, s * CH0, NS * CH0 + s * CH1)

    pltpu.sync_copy(zeros_hbm, z_sh.at[pl.ds(row0, RPS)])
    plsc.subcore_barrier()

    rowsb = (rows0, rows1)
    semb = (sem0, sem1)

    def window(w, _):
        base_w = base + w * WIN
        pltpu.sync_copy(src_hbm.at[pl.ds(base_w, WIN)], src_w)
        pltpu.sync_copy(dst_hbm.at[pl.ds(base_w, WIN)], dst_w)
        for b in range(2):
            pltpu.async_copy(y_hbm.at[src_w.at[b]], rowsb[b], semb[b])

        def steps(t, _):
            for b in range(2):
                j = t * 2 + b
                pltpu.make_async_copy(y_hbm.at[src_w.at[j]],
                                      rowsb[b], semb[b]).wait()
                pltpu.sync_copy(rowsb[b], z_sh.at[dst_w.at[j]], add=True)
                nxt = j + 2

                @pl.when(nxt < WIN)
                def _():
                    pltpu.async_copy(y_hbm.at[src_w.at[nxt]],
                                     rowsb[b], semb[b])
            return 0

        lax.fori_loop(0, WIN // 2, steps, 0)
        return 0

    lax.fori_loop(0, nw, window, 0)
    plsc.subcore_barrier()

    pltpu.sync_copy(z_sh.at[pl.ds(row0, RPS)],
                    z_out.at[c, pl.ds(row0, RPS)])


@functools.lru_cache(maxsize=None)
def _make_sc_agg():
    mesh = plsc.VectorSubcoreMesh(core_axis_name="c", subcore_axis_name="s")
    return pl.kernel(
        _sc_agg_body,
        mesh=mesh,
        out_type=[jax.ShapeDtypeStruct((NC, NP, D), jnp.float32)],
        scratch_types=[
            pltpu.VMEM_SHARED((NP, D), jnp.float32),
            pltpu.VMEM((WIN, K), jnp.int32),
            pltpu.VMEM((WIN, K), jnp.int32),
            pltpu.VMEM((K, D), jnp.float32),
            pltpu.VMEM((K, D), jnp.float32),
            pltpu.SemaphoreType.DMA,
            pltpu.SemaphoreType.DMA,
        ],
    )



def _tc_pre_body(x_ref, ws_ref, wn_ref, b_ref, s_out, y_out):
    x = x_ref[...]
    s_out[...] = (jnp.dot(x, ws_ref[...], preferred_element_type=jnp.float32)
                  + b_ref[0:1, :])
    y_out[...] = jnp.dot(x, wn_ref[...], preferred_element_type=jnp.float32)


def _tc_mid_body(s1_ref, z_ref, deg_ref, ws_ref, wn_ref, b_ref, s2_out, y2_out):
    deg = deg_ref[0, :, 0:1] + deg_ref[1, :, 0:1]
    inv = 1.0 / jnp.maximum(deg, 1.0)
    h = jnp.maximum(s1_ref[...] + (z_ref[0] + z_ref[1]) * inv, 0.0)
    s2_out[...] = (jnp.dot(h, ws_ref[...], preferred_element_type=jnp.float32)
                   + b_ref[0:1, :])
    y2_out[...] = jnp.dot(h, wn_ref[...], preferred_element_type=jnp.float32)


def _tc_post_body(s2_ref, z_ref, deg_ref, out_ref):
    deg = deg_ref[0, :, 0:1] + deg_ref[1, :, 0:1]
    inv = 1.0 / jnp.maximum(deg, 1.0)
    out_ref[...] = s2_ref[...] + (z_ref[0] + z_ref[1]) * inv


_row_spec = pl.BlockSpec((BR, D), lambda i: (i, 0))
_w_spec = pl.BlockSpec((D, D), lambda i: (0, 0))
_b_spec = pl.BlockSpec((8, D), lambda i: (0, 0))
_z_spec = pl.BlockSpec((NC, BR, D), lambda i: (0, i, 0))

_tc_pre = pl.pallas_call(
    _tc_pre_body,
    grid=(GRID,),
    in_specs=[_row_spec, _w_spec, _w_spec, _b_spec],
    out_specs=[_row_spec, _row_spec],
    out_shape=[jax.ShapeDtypeStruct((N, D), jnp.float32)] * 2,
)

_tc_mid = pl.pallas_call(
    _tc_mid_body,
    grid=(GRID,),
    in_specs=[_row_spec, _z_spec, _z_spec, _w_spec, _w_spec, _b_spec],
    out_specs=[_row_spec, _row_spec],
    out_shape=[jax.ShapeDtypeStruct((N, D), jnp.float32)] * 2,
)

_tc_post = pl.pallas_call(
    _tc_post_body,
    grid=(GRID,),
    in_specs=[_row_spec, _z_spec, _z_spec],
    out_specs=_row_spec,
    out_shape=jax.ShapeDtypeStruct((N, D), jnp.float32),
)


def kernel(features, edge_index, W1_self, W1_neigh, b1, W2_self, W2_neigh, b2):
    pad = EP - E
    src_r = jnp.concatenate(
        [edge_index[0], jnp.zeros((pad,), jnp.int32)]).reshape(CPAD, K)
    dst_r = jnp.concatenate(
        [edge_index[1], jnp.full((pad,), N, jnp.int32)]).reshape(CPAD, K)
    zeros_c = jnp.zeros((RPS, D), jnp.float32)
    ones_c = jnp.ones((K, D), jnp.float32)
    b1r = jnp.broadcast_to(b1.reshape(1, D), (8, D))
    b2r = jnp.broadcast_to(b2.reshape(1, D), (8, D))

    dst_d = dst_r.reshape(NC * NS, CHD, K)
    (deg,) = _make_sc_deg()(dst_d, zeros_c, ones_c)
    s1, y1 = _tc_pre(features, W1_self, W1_neigh, b1r)
    (z1,) = _make_sc_agg()(y1, src_r, dst_r, zeros_c)
    s2, y2 = _tc_mid(s1, z1, deg, W2_self, W2_neigh, b2r)
    (z2,) = _make_sc_agg()(y2, src_r, dst_r, zeros_c)
    return _tc_post(s2, z2, deg)

# --- scband reference (transcript-rebuilt; emitter-appended) ---
"""Pipeline reference for scband-graph-sage-76149770158505 (READ-ONLY COPY).

The authoritative reference and input builder live on the scoring server;
editing this copy changes nothing except your own understanding.
"""

import jax, jax.numpy as jnp
import numpy as np

N = 10000
E = 320000
D_IN = 128
D_HID = 128
D_OUT = 128


def setup_inputs(seed: int = 0) -> dict:
    key = jax.random.key(seed)
    ks = jax.random.split(key, 9)
    features = jax.random.normal(ks[0], (N, D_IN), dtype=jnp.float32)
    edge_index = jax.random.randint(ks[1], (2, E), 0, N, dtype=jnp.int32)
    s = 0.05
    W1_self = jax.random.normal(ks[2], (D_IN, D_HID), dtype=jnp.float32) * s
    W1_neigh = jax.random.normal(ks[3], (D_IN, D_HID), dtype=jnp.float32) * s
    b1 = jnp.zeros((D_HID,), dtype=jnp.float32)
    W2_self = jax.random.normal(ks[4], (D_HID, D_OUT), dtype=jnp.float32) * s
    W2_neigh = jax.random.normal(ks[5], (D_HID, D_OUT), dtype=jnp.float32) * s
    b2 = jnp.zeros((D_OUT,), dtype=jnp.float32)
    return {
        "features": features,
        "edge_index": edge_index,
        "W1_self": W1_self,
        "W1_neigh": W1_neigh,
        "b1": b1,
        "W2_self": W2_self,
        "W2_neigh": W2_neigh,
        "b2": b2,
    }


def _sage_conv_mean(x, edge_index, W_self, W_neigh, b):
    # DGL SAGEConv(aggregator_type='mean'):
    #   h_neigh = mean_{j in N(i)} x_j  (gather over src, scatter-mean to dst)
    #   rst = x @ W_self + h_neigh @ W_neigh + b
    src = edge_index[0]
    dst = edge_index[1]
    msgs = jnp.take(x, src, axis=0)                       # gather [E, d]
    agg = jax.ops.segment_sum(msgs, dst, num_segments=N)  # scatter-add [N, d]
    deg = jax.ops.segment_sum(jnp.ones((edge_index.shape[1],), dtype=x.dtype), dst, num_segments=N)
    h_neigh = agg / jnp.clip(deg, 1.0)[:, None]
    return x @ W_self + h_neigh @ W_neigh + b


def reference(features, edge_index, W1_self, W1_neigh, b1, W2_self, W2_neigh, b2):
    h = _sage_conv_mean(features, edge_index, W1_self, W1_neigh, b1)
    h = jax.nn.relu(h)
    # F.dropout with training=False is a no-op
    out = _sage_conv_mean(h, edge_index, W2_self, W2_neigh, b2)
    return out

if __name__ == "__main__":
    import jax
    _d = setup_inputs()
    print(jax.jit(kernel)(*tuple(_d.values())))

</pallas_src>

<mosaic_0001>
#map = affine_map<(d0, d1) -> (0, 0, 0)>
#map1 = affine_map<(d0, d1) -> (0, 0)>
module attributes {stable_mosaic.version = 14 : i64} {
  func.func @_sc_deg_body(%arg0: i32, %arg1: i32, %arg2: memref<32x80x128xi32, #tpu.memory_space<hbm>>, %arg3: memref<640x128xf32, #tpu.memory_space<hbm>>, %arg4: memref<128x128xf32, #tpu.memory_space<hbm>>, %arg5: memref<2x10240x128xf32, #tpu.memory_space<hbm>>, %arg6: memref<10240x128xf32, #tpu.memory_space<vmem_shared>>, %arg7: memref<80x128xi32, #tpu.memory_space<vmem>>, %arg8: memref<128x128xf32, #tpu.memory_space<vmem>>) attributes {dimension_semantics = [#tpu.dimension_semantics<core_parallel>, #tpu.dimension_semantics<subcore_parallel>], iteration_bounds = array<i64: 2, 16>, scalar_prefetch = 0 : i64, scratch_operands = 3 : i64, tpu.core_type = #tpu.core_type<sc_vector_subcore>, window_params = [{transform_indices = #map}, {transform_indices = #map1}, {transform_indices = #map1}, {transform_indices = #map}]} {
    %mul3A = arith.constant 2 : i32
    %mul3A_0 = arith.muli %arg1, %mul3A : i32
    %add3A = arith.addi %mul3A_0, %arg0 : i32
    %mul3A_1 = arith.constant 640 : i32
    %mul3A_2 = arith.muli %arg1, %mul3A_1 : i32
    "tpu.region"() ({
      %run_scoped3A = tpu.sem_alloc : memref<!tpu.dma_semaphore, #tpu.memory_space<semaphore_mem>>
      %dma_start3A = arith.constant 0 : i32
      %dma_start3A_10 = tpu.memref_slice %arg6[%mul3A_2, %dma_start3A] : memref<10240x128xf32, #tpu.memory_space<vmem_shared>> -> memref<640x128xf32, #tpu.memory_space<vmem_shared>>
      tpu.enqueue_dma source(%arg3 : memref<640x128xf32, #tpu.memory_space<hbm>>) target(%dma_start3A_10 : memref<640x128xf32, #tpu.memory_space<vmem_shared>>) target_semaphore(%run_scoped3A : memref<!tpu.dma_semaphore, #tpu.memory_space<semaphore_mem>>)
      %dma_wait3A = arith.constant 0 : i32
      %dma_wait3A_11 = tpu.memref_slice %arg6[%mul3A_2, %dma_wait3A] : memref<10240x128xf32, #tpu.memory_space<vmem_shared>> -> memref<640x128xf32, #tpu.memory_space<vmem_shared>>
      tpu.wait_dma2 semaphore(%run_scoped3A : memref<!tpu.dma_semaphore, #tpu.memory_space<semaphore_mem>>) src(%arg3 : memref<640x128xf32, #tpu.memory_space<hbm>>) dst(%dma_wait3A_11 : memref<640x128xf32, #tpu.memory_space<vmem_shared>>)
      tpu.yield
    }) : () -> ()
    %barrier3A = arith.constant 0 : index
    tpu.barrier barrier_id(%barrier3A)
    "tpu.region"() ({
      %run_scoped3A = tpu.sem_alloc : memref<!tpu.dma_semaphore, #tpu.memory_space<semaphore_mem>>
      tpu.enqueue_dma source(%arg4 : memref<128x128xf32, #tpu.memory_space<hbm>>) target(%arg8 : memref<128x128xf32, #tpu.memory_space<vmem>>) target_semaphore(%run_scoped3A : memref<!tpu.dma_semaphore, #tpu.memory_space<semaphore_mem>>)
      tpu.wait_dma2 semaphore(%run_scoped3A : memref<!tpu.dma_semaphore, #tpu.memory_space<semaphore_mem>>) src(%arg4 : memref<128x128xf32, #tpu.memory_space<hbm>>) dst(%arg8 : memref<128x128xf32, #tpu.memory_space<vmem>>)
      tpu.yield
    }) : () -> ()
    "tpu.region"() ({
      %run_scoped3A = tpu.sem_alloc : memref<!tpu.dma_semaphore, #tpu.memory_space<semaphore_mem>>
      %dma_start3A = arith.constant 0 : i32
      %dma_start3A_10 = arith.constant 0 : i32
      %dma_start3A_11 = tpu.memref_slice %arg2[%add3A, %dma_start3A, %dma_start3A_10] : memref<32x80x128xi32, #tpu.memory_space<hbm>> -> memref<1x80x128xi32, #tpu.memory_space<hbm>>
      %dma_start3A_12 = tpu.memref_squeeze %dma_start3A_11 : memref<1x80x128xi32, #tpu.memory_space<hbm>> -> memref<80x128xi32, #tpu.memory_space<hbm>>
      %dma_start3A_13 = arith.constant 0 : i32
      %dma_start3A_14 = arith.constant 0 : i32
      %dma_start3A_15 = tpu.memref_slice %arg2[%add3A, %dma_start3A_13, %dma_start3A_14] : memref<32x80x128xi32, #tpu.memory_space<hbm>> -> memref<1x80x128xi32, #tpu.memory_space<hbm>>
      %dma_start3A_16 = tpu.memref_squeeze %dma_start3A_15 : memref<1x80x128xi32, #tpu.memory_space<hbm>> -> memref<80x128xi32, #tpu.memory_space<hbm>>
      tpu.enqueue_dma source(%dma_start3A_16 : memref<80x128xi32, #tpu.memory_space<hbm>>) target(%arg7 : memref<80x128xi32, #tpu.memory_space<vmem>>) target_semaphore(%run_scoped3A : memref<!tpu.dma_semaphore, #tpu.memory_space<semaphore_mem>>)
      %dma_wait3A = arith.constant 0 : i32
      %dma_wait3A_17 = arith.constant 0 : i32
      %dma_wait3A_18 = tpu.memref_slice %arg2[%add3A, %dma_wait3A, %dma_wait3A_17] : memref<32x80x128xi32, #tpu.memory_space<hbm>> -> memref<1x80x128xi32, #tpu.memory_space<hbm>>
      %dma_wait3A_19 = tpu.memref_squeeze %dma_wait3A_18 : memref<1x80x128xi32, #tpu.memory_space<hbm>> -> memref<80x128xi32, #tpu.memory_space<hbm>>
      %dma_wait3A_20 = arith.constant 0 : i32
      %dma_wait3A_21 = arith.constant 0 : i32
      %dma_wait3A_22 = tpu.memref_slice %arg2[%add3A, %dma_wait3A_20, %dma_wait3A_21] : memref<32x80x128xi32, #tpu.memory_space<hbm>> -> memref<1x80x128xi32, #tpu.memory_space<hbm>>
      %dma_wait3A_23 = tpu.memref_squeeze %dma_wait3A_22 : memref<1x80x128xi32, #tpu.memory_space<hbm>> -> memref<80x128xi32, #tpu.memory_space<hbm>>
      tpu.wait_dma2 semaphore(%run_scoped3A : memref<!tpu.dma_semaphore, #tpu.memory_space<semaphore_mem>>) src(%dma_wait3A_23 : memref<80x128xi32, #tpu.memory_space<hbm>>) dst(%arg7 : memref<80x128xi32, #tpu.memory_space<vmem>>)
      tpu.yield
    }) : () -> ()
    %scan3A = arith.constant 0 : i32
    %scan3A_3 = arith.constant 0 : i32
    %scan3A_4 = arith.constant 80 : i32
    %scan3A_5 = arith.addi %scan3A_3, %scan3A_4 : i32
    %scan3A_6 = arith.constant 1 : i32
    %scan3A_7 = scf.for %scan3A_10 = %scan3A_3 to %scan3A_5 step %scan3A_6 iter_args(%scan3A_11 = %scan3A) -> (i32)  : i32 {
      "tpu.region"() ({
        %run_scoped3A = tpu.sem_alloc : memref<!tpu.dma_semaphore, #tpu.memory_space<semaphore_mem>>
        %dma_start3A = arith.constant 0 : i32
        %dma_start3A_13 = tpu.memref_slice %arg7[%scan3A_10, %dma_start3A] : memref<80x128xi32, #tpu.memory_space<vmem>> -> memref<1x128xi32, #tpu.memory_space<vmem>>
        %dma_start3A_14 = tpu.memref_squeeze %dma_start3A_13 : memref<1x128xi32, #tpu.memory_space<vmem>> -> memref<128xi32, #tpu.memory_space<vmem>>
        %dma_start3A_15 = arith.constant 0 : i32
        %dma_start3A_16 = arith.constant 0 : i32
        %dma_start3A_17 = tpu.memref_slice %arg6[%dma_start3A_15, %dma_start3A_16] : memref<10240x128xf32, #tpu.memory_space<vmem_shared>> -> memref<10240x128xf32, #tpu.memory_space<vmem_shared>>
        tpu.enqueue_indirect_dma source(%arg8 : memref<128x128xf32, #tpu.memory_space<vmem>>) target(%dma_start3A_17 : memref<10240x128xf32, #tpu.memory_space<vmem_shared>>) offsets(%dma_start3A_14 : memref<128xi32, #tpu.memory_space<vmem>>) semaphore(%run_scoped3A : memref<!tpu.dma_semaphore, #tpu.memory_space<semaphore_mem>>) {add = true}
        %dma_wait3A = arith.constant 0 : i32
        %dma_wait3A_18 = tpu.memref_slice %arg7[%scan3A_10, %dma_wait3A] : memref<80x128xi32, #tpu.memory_space<vmem>> -> memref<1x128xi32, #tpu.memory_space<vmem>>
        %dma_wait3A_19 = tpu.memref_squeeze %dma_wait3A_18 : memref<1x128xi32, #tpu.memory_space<vmem>> -> memref<128xi32, #tpu.memory_space<vmem>>
        %dma_wait3A_20 = arith.constant 0 : i32
        %dma_wait3A_21 = arith.constant 0 : i32
        %dma_wait3A_22 = tpu.memref_slice %arg6[%dma_wait3A_20, %dma_wait3A_21] : memref<10240x128xf32, #tpu.memory_space<vmem_shared>> -> memref<10240x128xf32, #tpu.memory_space<vmem_shared>>
        tpu.wait_indirect_dma semaphore(%run_scoped3A : memref<!tpu.dma_semaphore, #tpu.memory_space<semaphore_mem>>) src(%arg8 : memref<128x128xf32, #tpu.memory_space<vmem>>) dst(%dma_wait3A_22 : memref<10240x128xf32, #tpu.memory_space<vmem_shared>>)
        tpu.yield
      }) : () -> ()
      %scan3A_12 = arith.constant 0 : i32
      scf.yield %scan3A_12 : i32
    }
    %scan3A_8 = arith.constant 80 : i32
    %barrier3A_9 = arith.constant 0 : index
    tpu.barrier barrier_id(%barrier3A_9)
    "tpu.region"() ({
      %run_scoped3A = tpu.sem_alloc : memref<!tpu.dma_semaphore, #tpu.memory_space<semaphore_mem>>
      %dma_start3A = arith.constant 0 : i32
      %dma_start3A_10 = tpu.memref_slice %arg5[%arg0, %mul3A_2, %dma_start3A] : memref<2x10240x128xf32, #tpu.memory_space<hbm>> -> memref<1x640x128xf32, #tpu.memory_space<hbm>>
      %dma_start3A_11 = tpu.memref_squeeze %dma_start3A_10 : memref<1x640x128xf32, #tpu.memory_space<hbm>> -> memref<640x128xf32, #tpu.memory_space<hbm>>
      %dma_start3A_12 = arith.constant 0 : i32
      %dma_start3A_13 = tpu.memref_slice %arg6[%mul3A_2, %dma_start3A_12] : memref<10240x128xf32, #tpu.memory_space<vmem_shared>> -> memref<640x128xf32, #tpu.memory_space<vmem_shared>>
      tpu.enqueue_dma source(%dma_start3A_13 : memref<640x128xf32, #tpu.memory_space<vmem_shared>>) target(%dma_start3A_11 : memref<640x128xf32, #tpu.memory_space<hbm>>) target_semaphore(%run_scoped3A : memref<!tpu.dma_semaphore, #tpu.memory_space<semaphore_mem>>)
      %dma_wait3A = arith.constant 0 : i32
      %dma_wait3A_14 = tpu.memref_slice %arg5[%arg0, %mul3A_2, %dma_wait3A] : memref<2x10240x128xf32, #tpu.memory_space<hbm>> -> memref<1x640x128xf32, #tpu.memory_space<hbm>>
      %dma_wait3A_15 = tpu.memref_squeeze %dma_wait3A_14 : memref<1x640x128xf32, #tpu.memory_space<hbm>> -> memref<640x128xf32, #tpu.memory_space<hbm>>
      %dma_wait3A_16 = arith.constant 0 : i32
      %dma_wait3A_17 = tpu.memref_slice %arg6[%mul3A_2, %dma_wait3A_16] : memref<10240x128xf32, #tpu.memory_space<vmem_shared>> -> memref<640x128xf32, #tpu.memory_space<vmem_shared>>
      tpu.wait_dma2 semaphore(%run_scoped3A : memref<!tpu.dma_semaphore, #tpu.memory_space<semaphore_mem>>) src(%dma_wait3A_17 : memref<640x128xf32, #tpu.memory_space<vmem_shared>>) dst(%dma_wait3A_15 : memref<640x128xf32, #tpu.memory_space<hbm>>)
      tpu.yield
    }) : () -> ()
    return
  }
}

#map = affine_map<(d0, d1) -> (0, 0)>
#map1 = affine_map<(d0, d1) -> (0, 0, 0)>
module attributes {stable_mosaic.version = 14 : i64} {
  func.func @_sc_agg_body(%arg0: i32, %arg1: i32, %arg2: memref<10000x128xf32, #tpu.memory_space<hbm>>, %arg3: memref<2560x128xi32, #tpu.memory_space<hbm>>, %arg4: memref<2560x128xi32, #tpu.memory_space<hbm>>, %arg5: memref<640x128xf32, #tpu.memory_space<hbm>>, %arg6: memref<2x10240x128xf32, #tpu.memory_space<hbm>>, %arg7: memref<10240x128xf32, #tpu.memory_space<vmem_shared>>, %arg8: memref<32x128xi32, #tpu.memory_space<vmem>>, %arg9: memref<32x128xi32, #tpu.memory_space<vmem>>, %arg10: memref<128x128xf32, #tpu.memory_space<vmem>>, %arg11: memref<128x128xf32, #tpu.memory_space<vmem>>, %arg12: memref<!tpu.dma_semaphore, #tpu.memory_space<semaphore_mem>>, %arg13: memref<!tpu.dma_semaphore, #tpu.memory_space<semaphore_mem>>) attributes {dimension_semantics = [#tpu.dimension_semantics<core_parallel>, #tpu.dimension_semantics<subcore_parallel>], iteration_bounds = array<i64: 2, 16>, scalar_prefetch = 0 : i64, scratch_operands = 7 : i64, tpu.core_type = #tpu.core_type<sc_vector_subcore>, window_params = [{transform_indices = #map}, {transform_indices = #map}, {transform_indices = #map}, {transform_indices = #map}, {transform_indices = #map1}]} {
    %mul3A = arith.constant 640 : i32
    %mul3A_0 = arith.muli %arg1, %mul3A : i32
    %eq3A = arith.constant 0 : i32
    %eq3A_1 = arith.cmpi eq, %arg0, %eq3A : i32
    %jit3A = arith.constant 4 : i32
    %jit3A_2 = arith.constant 1 : i32
    %select_n3A = arith.select %eq3A_1, %jit3A, %jit3A_2 : i32
    %eq3A_3 = arith.constant 0 : i32
    %eq3A_4 = arith.cmpi eq, %arg0, %eq3A_3 : i32
    %mul3A_5 = arith.constant 128 : i32
    %mul3A_6 = arith.muli %arg1, %mul3A_5 : i32
    %mul3A_7 = arith.constant 32 : i32
    %mul3A_8 = arith.muli %arg1, %mul3A_7 : i32
    %add3A = arith.constant 2048 : i32
    %add3A_9 = arith.addi %add3A, %mul3A_8 : i32
    %select_n3A_10 = arith.select %eq3A_4, %mul3A_6, %add3A_9 : i32
    "tpu.region"() ({
      %run_scoped3A = tpu.sem_alloc : memref<!tpu.dma_semaphore, #tpu.memory_space<semaphore_mem>>
      %dma_start3A = arith.constant 0 : i32
      %dma_start3A_23 = tpu.memref_slice %arg7[%mul3A_0, %dma_start3A] : memref<10240x128xf32, #tpu.memory_space<vmem_shared>> -> memref<640x128xf32, #tpu.memory_space<vmem_shared>>
      tpu.enqueue_dma source(%arg5 : memref<640x128xf32, #tpu.memory_space<hbm>>) target(%dma_start3A_23 : memref<640x128xf32, #tpu.memory_space<vmem_shared>>) target_semaphore(%run_scoped3A : memref<!tpu.dma_semaphore, #tpu.memory_space<semaphore_mem>>)
      %dma_wait3A = arith.constant 0 : i32
      %dma_wait3A_24 = tpu.memref_slice %arg7[%mul3A_0, %dma_wait3A] : memref<10240x128xf32, #tpu.memory_space<vmem_shared>> -> memref<640x128xf32, #tpu.memory_space<vmem_shared>>
      tpu.wait_dma2 semaphore(%run_scoped3A : memref<!tpu.dma_semaphore, #tpu.memory_space<semaphore_mem>>) src(%arg5 : memref<640x128xf32, #tpu.memory_space<hbm>>) dst(%dma_wait3A_24 : memref<640x128xf32, #tpu.memory_space<vmem_shared>>)
      tpu.yield
    }) : () -> ()
    %barrier3A = arith.constant 0 : index
    tpu.barrier barrier_id(%barrier3A)
    %while3A = arith.constant 0 : i32
    %while3A_11 = arith.constant 0 : i32
    %while3A_12 = arith.subi %select_n3A, %while3A : i32
    %while3A_13 = arith.addi %while3A, %while3A_12 : i32
    %while3A_14 = arith.constant 1 : i32
    %while3A_15 = arith.divsi %while3A_12, %while3A_14 : i32
    %while3A_16 = arith.muli %while3A_15, %while3A_14 : i32
    %while3A_17 = arith.addi %while3A, %while3A_16 : i32
    %while3A_18 = arith.constant 1 : i32
    %while3A_19 = scf.for %while3A_23 = %while3A to %while3A_17 step %while3A_18 iter_args(%while3A_24 = %while3A_11) -> (i32)  : i32 {
      %mul3A_25 = arith.constant 32 : i32
      %mul3A_26 = arith.muli %while3A_23, %mul3A_25 : i32
      %add3A_27 = arith.addi %select_n3A_10, %mul3A_26 : i32
      "tpu.region"() ({
        %run_scoped3A = tpu.sem_alloc : memref<!tpu.dma_semaphore, #tpu.memory_space<semaphore_mem>>
        %dma_start3A_48 = arith.constant 0 : i32
        %dma_start3A_49 = tpu.memref_slice %arg3[%add3A_27, %dma_start3A_48] : memref<2560x128xi32, #tpu.memory_space<hbm>> -> memref<32x128xi32, #tpu.memory_space<hbm>>
        %dma_start3A_50 = arith.constant 0 : i32
        %dma_start3A_51 = tpu.memref_slice %arg3[%add3A_27, %dma_start3A_50] : memref<2560x128xi32, #tpu.memory_space<hbm>> -> memref<32x128xi32, #tpu.memory_space<hbm>>
        tpu.enqueue_dma source(%dma_start3A_51 : memref<32x128xi32, #tpu.memory_space<hbm>>) target(%arg8 : memref<32x128xi32, #tpu.memory_space<vmem>>) target_semaphore(%run_scoped3A : memref<!tpu.dma_semaphore, #tpu.memory_space<semaphore_mem>>)
        %dma_wait3A = arith.constant 0 : i32
        %dma_wait3A_52 = tpu.memref_slice %arg3[%add3A_27, %dma_wait3A] : memref<2560x128xi32, #tpu.memory_space<hbm>> -> memref<32x128xi32, #tpu.memory_space<hbm>>
        %dma_wait3A_53 = arith.constant 0 : i32
        %dma_wait3A_54 = tpu.memref_slice %arg3[%add3A_27, %dma_wait3A_53] : memref<2560x128xi32, #tpu.memory_space<hbm>> -> memref<32x128xi32, #tpu.memory_space<hbm>>
        tpu.wait_dma2 semaphore(%run_scoped3A : memref<!tpu.dma_semaphore, #tpu.memory_space<semaphore_mem>>) src(%dma_wait3A_54 : memref<32x128xi32, #tpu.memory_space<hbm>>) dst(%arg8 : memref<32x128xi32, #tpu.memory_space<vmem>>)
        tpu.yield
      }) : () -> ()
      "tpu.region"() ({
        %run_scoped3A = tpu.sem_alloc : memref<!tpu.dma_semaphore, #tpu.memory_space<semaphore_mem>>
        %dma_start3A_48 = arith.constant 0 : i32
        %dma_start3A_49 = tpu.memref_slice %arg4[%add3A_27, %dma_start3A_48] : memref<2560x128xi32, #tpu.memory_space<hbm>> -> memref<32x128xi32, #tpu.memory_space<hbm>>
        %dma_start3A_50 = arith.constant 0 : i32
        %dma_start3A_51 = tpu.memref_slice %arg4[%add3A_27, %dma_start3A_50] : memref<2560x128xi32, #tpu.memory_space<hbm>> -> memref<32x128xi32, #tpu.memory_space<hbm>>
        tpu.enqueue_dma source(%dma_start3A_51 : memref<32x128xi32, #tpu.memory_space<hbm>>) target(%arg9 : memref<32x128xi32, #tpu.memory_space<vmem>>) target_semaphore(%run_scoped3A : memref<!tpu.dma_semaphore, #tpu.memory_space<semaphore_mem>>)
        %dma_wait3A = arith.constant 0 : i32
        %dma_wait3A_52 = tpu.memref_slice %arg4[%add3A_27, %dma_wait3A] : memref<2560x128xi32, #tpu.memory_space<hbm>> -> memref<32x128xi32, #tpu.memory_space<hbm>>
        %dma_wait3A_53 = arith.constant 0 : i32
        %dma_wait3A_54 = tpu.memref_slice %arg4[%add3A_27, %dma_wait3A_53] : memref<2560x128xi32, #tpu.memory_space<hbm>> -> memref<32x128xi32, #tpu.memory_space<hbm>>
        tpu.wait_dma2 semaphore(%run_scoped3A : memref<!tpu.dma_semaphore, #tpu.memory_space<semaphore_mem>>) src(%dma_wait3A_54 : memref<32x128xi32, #tpu.memory_space<hbm>>) dst(%arg9 : memref<32x128xi32, #tpu.memory_space<vmem>>)
        tpu.yield
      }) : () -> ()
      %dma_start3A = arith.constant 0 : i32
      %dma_start3A_28 = arith.constant 0 : i32
      %dma_start3A_29 = tpu.memref_slice %arg8[%dma_start3A, %dma_start3A_28] : memref<32x128xi32, #tpu.memory_space<vmem>> -> memref<1x128xi32, #tpu.memory_space<vmem>>
      %dma_start3A_30 = tpu.memref_squeeze %dma_start3A_29 : memref<1x128xi32, #tpu.memory_space<vmem>> -> memref<128xi32, #tpu.memory_space<vmem>>
      %dma_start3A_31 = arith.constant 0 : i32
      %dma_start3A_32 = arith.constant 0 : i32
      %dma_start3A_33 = tpu.memref_slice %arg2[%dma_start3A_31, %dma_start3A_32] : memref<10000x128xf32, #tpu.memory_space<hbm>> -> memref<10000x128xf32, #tpu.memory_space<hbm>>
      tpu.enqueue_indirect_dma source(%dma_start3A_33 : memref<10000x128xf32, #tpu.memory_space<hbm>>) target(%arg10 : memref<128x128xf32, #tpu.memory_space<vmem>>) offsets(%dma_start3A_30 : memref<128xi32, #tpu.memory_space<vmem>>) semaphore(%arg12 : memref<!tpu.dma_semaphore, #tpu.memory_space<semaphore_mem>>)
      %dma_start3A_34 = arith.constant 1 : i32
      %dma_start3A_35 = arith.constant 0 : i32
      %dma_start3A_36 = tpu.memref_slice %arg8[%dma_start3A_34, %dma_start3A_35] : memref<32x128xi32, #tpu.memory_space<vmem>> -> memref<1x128xi32, #tpu.memory_space<vmem>>
      %dma_start3A_37 = tpu.memref_squeeze %dma_start3A_36 : memref<1x128xi32, #tpu.memory_space<vmem>> -> memref<128xi32, #tpu.memory_space<vmem>>
      %dma_start3A_38 = arith.constant 0 : i32
      %dma_start3A_39 = arith.constant 0 : i32
      %dma_start3A_40 = tpu.memref_slice %arg2[%dma_start3A_38, %dma_start3A_39] : memref<10000x128xf32, #tpu.memory_space<hbm>> -> memref<10000x128xf32, #tpu.memory_space<hbm>>
      tpu.enqueue_indirect_dma source(%dma_start3A_40 : memref<10000x128xf32, #tpu.memory_space<hbm>>) target(%arg11 : memref<128x128xf32, #tpu.memory_space<vmem>>) offsets(%dma_start3A_37 : memref<128xi32, #tpu.memory_space<vmem>>) semaphore(%arg13 : memref<!tpu.dma_semaphore, #tpu.memory_space<semaphore_mem>>)
      %scan3A = arith.constant 0 : i32
      %scan3A_41 = arith.constant 0 : i32
      %scan3A_42 = arith.constant 16 : i32
      %scan3A_43 = arith.addi %scan3A_41, %scan3A_42 : i32
      %scan3A_44 = arith.constant 1 : i32
      %scan3A_45 = scf.for %scan3A_48 = %scan3A_41 to %scan3A_43 step %scan3A_44 iter_args(%scan3A_49 = %scan3A) -> (i32)  : i32 {
        %mul3A_50 = arith.constant 2 : i32
        %mul3A_51 = arith.muli %scan3A_48, %mul3A_50 : i32
        %add3A_52 = arith.constant 0 : i32
        %add3A_53 = arith.addi %mul3A_51, %add3A_52 : i32
        %dma_wait3A = arith.constant 0 : i32
        %dma_wait3A_54 = tpu.memref_slice %arg8[%add3A_53, %dma_wait3A] : memref<32x128xi32, #tpu.memory_space<vmem>> -> memref<1x128xi32, #tpu.memory_space<vmem>>
        %dma_wait3A_55 = tpu.memref_squeeze %dma_wait3A_54 : memref<1x128xi32, #tpu.memory_space<vmem>> -> memref<128xi32, #tpu.memory_space<vmem>>
        %dma_wait3A_56 = arith.constant 0 : i32
        %dma_wait3A_57 = arith.constant 0 : i32
        %dma_wait3A_58 = tpu.memref_slice %arg2[%dma_wait3A_56, %dma_wait3A_57] : memref<10000x128xf32, #tpu.memory_space<hbm>> -> memref<10000x128xf32, #tpu.memory_space<hbm>>
        tpu.wait_indirect_dma semaphore(%arg12 : memref<!tpu.dma_semaphore, #tpu.memory_space<semaphore_mem>>) src(%dma_wait3A_58 : memref<10000x128xf32, #tpu.memory_space<hbm>>) dst(%arg10 : memref<128x128xf32, #tpu.memory_space<vmem>>)
        "tpu.region"() ({
          %run_scoped3A = tpu.sem_alloc : memref<!tpu.dma_semaphore, #tpu.memory_space<semaphore_mem>>
          %dma_start3A_81 = arith.constant 0 : i32
          %dma_start3A_82 = tpu.memref_slice %arg9[%add3A_53, %dma_start3A_81] : memref<32x128xi32, #tpu.memory_space<vmem>> -> memref<1x128xi32, #tpu.memory_space<vmem>>
          %dma_start3A_83 = tpu.memref_squeeze %dma_start3A_82 : memref<1x128xi32, #tpu.memory_space<vmem>> -> memref<128xi32, #tpu.memory_space<vmem>>
          %dma_start3A_84 = arith.constant 0 : i32
          %dma_start3A_85 = arith.constant 0 : i32
          %dma_start3A_86 = tpu.memref_slice %arg7[%dma_start3A_84, %dma_start3A_85] : memref<10240x128xf32, #tpu.memory_space<vmem_shared>> -> memref<10240x128xf32, #tpu.memory_space<vmem_shared>>
          tpu.enqueue_indirect_dma source(%arg10 : memref<128x128xf32, #tpu.memory_space<vmem>>) target(%dma_start3A_86 : memref<10240x128xf32, #tpu.memory_space<vmem_shared>>) offsets(%dma_start3A_83 : memref<128xi32, #tpu.memory_space<vmem>>) semaphore(%run_scoped3A : memref<!tpu.dma_semaphore, #tpu.memory_space<semaphore_mem>>) {add = true}
          %dma_wait3A_87 = arith.constant 0 : i32
          %dma_wait3A_88 = tpu.memref_slice %arg9[%add3A_53, %dma_wait3A_87] : memref<32x128xi32, #tpu.memory_space<vmem>> -> memref<1x128xi32, #tpu.memory_space<vmem>>
          %dma_wait3A_89 = tpu.memref_squeeze %dma_wait3A_88 : memref<1x128xi32, #tpu.memory_space<vmem>> -> memref<128xi32, #tpu.memory_space<vmem>>
          %dma_wait3A_90 = arith.constant 0 : i32
          %dma_wait3A_91 = arith.constant 0 : i32
          %dma_wait3A_92 = tpu.memref_slice %arg7[%dma_wait3A_90, %dma_wait3A_91] : memref<10240x128xf32, #tpu.memory_space<vmem_shared>> -> memref<10240x128xf32, #tpu.memory_space<vmem_shared>>
          tpu.wait_indirect_dma semaphore(%run_scoped3A : memref<!tpu.dma_semaphore, #tpu.memory_space<semaphore_mem>>) src(%arg10 : memref<128x128xf32, #tpu.memory_space<vmem>>) dst(%dma_wait3A_92 : memref<10240x128xf32, #tpu.memory_space<vmem_shared>>)
          tpu.yield
        }) : () -> ()
        %add3A_59 = arith.constant 2 : i32
        %add3A_60 = arith.addi %add3A_53, %add3A_59 : i32
        %lt3A = arith.constant 32 : i32
        %lt3A_61 = arith.cmpi slt, %add3A_60, %lt3A : i32
        %convert_element_type3A = arith.extui %lt3A_61 : i1 to i32
        %cond3A = arith.constant 0 : i32
        %cond3A_62 = arith.cmpi ne, %convert_element_type3A, %cond3A : i32
        scf.if %cond3A_62 {
          %dma_start3A_81 = arith.constant 0 : i32
          %dma_start3A_82 = tpu.memref_slice %arg8[%add3A_60, %dma_start3A_81] : memref<32x128xi32, #tpu.memory_space<vmem>> -> memref<1x128xi32, #tpu.memory_space<vmem>>
          %dma_start3A_83 = tpu.memref_squeeze %dma_start3A_82 : memref<1x128xi32, #tpu.memory_space<vmem>> -> memref<128xi32, #tpu.memory_space<vmem>>
          %dma_start3A_84 = arith.constant 0 : i32
          %dma_start3A_85 = arith.constant 0 : i32
          %dma_start3A_86 = tpu.memref_slice %arg2[%dma_start3A_84, %dma_start3A_85] : memref<10000x128xf32, #tpu.memory_space<hbm>> -> memref<10000x128xf32, #tpu.memory_space<hbm>>
          tpu.enqueue_indirect_dma source(%dma_start3A_86 : memref<10000x128xf32, #tpu.memory_space<hbm>>) target(%arg10 : memref<128x128xf32, #tpu.memory_space<vmem>>) offsets(%dma_start3A_83 : memref<128xi32, #tpu.memory_space<vmem>>) semaphore(%arg12 : memref<!tpu.dma_semaphore, #tpu.memory_space<semaphore_mem>>)
        } else {
        }
        %mul3A_63 = arith.constant 2 : i32
        %mul3A_64 = arith.muli %scan3A_48, %mul3A_63 : i32
        %add3A_65 = arith.constant 1 : i32
        %add3A_66 = arith.addi %mul3A_64, %add3A_65 : i32
        %dma_wait3A_67 = arith.constant 0 : i32
        %dma_wait3A_68 = tpu.memref_slice %arg8[%add3A_66, %dma_wait3A_67] : memref<32x128xi32, #tpu.memory_space<vmem>> -> memref<1x128xi32, #tpu.memory_space<vmem>>
        %dma_wait3A_69 = tpu.memref_squeeze %dma_wait3A_68 : memref<1x128xi32, #tpu.memory_space<vmem>> -> memref<128xi32, #tpu.memory_space<vmem>>
        %dma_wait3A_70 = arith.constant 0 : i32
        %dma_wait3A_71 = arith.constant 0 : i32
        %dma_wait3A_72 = tpu.memref_slice %arg2[%dma_wait3A_70, %dma_wait3A_71] : memref<10000x128xf32, #tpu.memory_space<hbm>> -> memref<10000x128xf32, #tpu.memory_space<hbm>>
        tpu.wait_indirect_dma semaphore(%arg13 : memref<!tpu.dma_semaphore, #tpu.memory_space<semaphore_mem>>) src(%dma_wait3A_72 : memref<10000x128xf32, #tpu.memory_space<hbm>>) dst(%arg11 : memref<128x128xf32, #tpu.memory_space<vmem>>)
        "tpu.region"() ({
          %run_scoped3A = tpu.sem_alloc : memref<!tpu.dma_semaphore, #tpu.memory_space<semaphore_mem>>
          %dma_start3A_81 = arith.constant 0 : i32
          %dma_start3A_82 = tpu.memref_slice %arg9[%add3A_66, %dma_start3A_81] : memref<32x128xi32, #tpu.memory_space<vmem>> -> memref<1x128xi32, #tpu.memory_space<vmem>>
          %dma_start3A_83 = tpu.memref_squeeze %dma_start3A_82 : memref<1x128xi32, #tpu.memory_space<vmem>> -> memref<128xi32, #tpu.memory_space<vmem>>
          %dma_start3A_84 = arith.constant 0 : i32
          %dma_start3A_85 = arith.constant 0 : i32
          %dma_start3A_86 = tpu.memref_slice %arg7[%dma_start3A_84, %dma_start3A_85] : memref<10240x128xf32, #tpu.memory_space<vmem_shared>> -> memref<10240x128xf32, #tpu.memory_space<vmem_shared>>
          tpu.enqueue_indirect_dma source(%arg11 : memref<128x128xf32, #tpu.memory_space<vmem>>) target(%dma_start3A_86 : memref<10240x128xf32, #tpu.memory_space<vmem_shared>>) offsets(%dma_start3A_83 : memref<128xi32, #tpu.memory_space<vmem>>) semaphore(%run_scoped3A : memref<!tpu.dma_semaphore, #tpu.memory_space<semaphore_mem>>) {add = true}
          %dma_wait3A_87 = arith.constant 0 : i32
          %dma_wait3A_88 = tpu.memref_slice %arg9[%add3A_66, %dma_wait3A_87] : memref<32x128xi32, #tpu.memory_space<vmem>> -> memref<1x128xi32, #tpu.memory_space<vmem>>
          %dma_wait3A_89 = tpu.memref_squeeze %dma_wait3A_88 : memref<1x128xi32, #tpu.memory_space<vmem>> -> memref<128xi32, #tpu.memory_space<vmem>>
          %dma_wait3A_90 = arith.constant 0 : i32
          %dma_wait3A_91 = arith.constant 0 : i32
          %dma_wait3A_92 = tpu.memref_slice %arg7[%dma_wait3A_90, %dma_wait3A_91] : memref<10240x128xf32, #tpu.memory_space<vmem_shared>> -> memref<10240x128xf32, #tpu.memory_space<vmem_shared>>
          tpu.wait_indirect_dma semaphore(%run_scoped3A : memref<!tpu.dma_semaphore, #tpu.memory_space<semaphore_mem>>) src(%arg11 : memref<128x128xf32, #tpu.memory_space<vmem>>) dst(%dma_wait3A_92 : memref<10240x128xf32, #tpu.memory_space<vmem_shared>>)
          tpu.yield
        }) : () -> ()
        %add3A_73 = arith.constant 2 : i32
        %add3A_74 = arith.addi %add3A_66, %add3A_73 : i32
        %lt3A_75 = arith.constant 32 : i32
        %lt3A_76 = arith.cmpi slt, %add3A_74, %lt3A_75 : i32
        %convert_element_type3A_77 = arith.extui %lt3A_76 : i1 to i32
        %cond3A_78 = arith.constant 0 : i32
        %cond3A_79 = arith.cmpi ne, %convert_element_type3A_77, %cond3A_78 : i32
        scf.if %cond3A_79 {
          %dma_start3A_81 = arith.constant 0 : i32
          %dma_start3A_82 = tpu.memref_slice %arg8[%add3A_74, %dma_start3A_81] : memref<32x128xi32, #tpu.memory_space<vmem>> -> memref<1x128xi32, #tpu.memory_space<vmem>>
          %dma_start3A_83 = tpu.memref_squeeze %dma_start3A_82 : memref<1x128xi32, #tpu.memory_space<vmem>> -> memref<128xi32, #tpu.memory_space<vmem>>
          %dma_start3A_84 = arith.constant 0 : i32
          %dma_start3A_85 = arith.constant 0 : i32
          %dma_start3A_86 = tpu.memref_slice %arg2[%dma_start3A_84, %dma_start3A_85] : memref<10000x128xf32, #tpu.memory_space<hbm>> -> memref<10000x128xf32, #tpu.memory_space<hbm>>
          tpu.enqueue_indirect_dma source(%dma_start3A_86 : memref<10000x128xf32, #tpu.memory_space<hbm>>) target(%arg11 : memref<128x128xf32, #tpu.memory_space<vmem>>) offsets(%dma_start3A_83 : memref<128xi32, #tpu.memory_space<vmem>>) semaphore(%arg13 : memref<!tpu.dma_semaphore, #tpu.memory_space<semaphore_mem>>)
        } else {
        }
        %scan3A_80 = arith.constant 0 : i32
        scf.yield %scan3A_80 : i32
      }
      %scan3A_46 = arith.constant 16 : i32
      %while3A_47 = arith.constant 0 : i32
      scf.yield %while3A_47 : i32
    }
    %while3A_20 = arith.constant 1 : i32
    %while3A_21 = scf.for %while3A_23 = %while3A_17 to %while3A_13 step %while3A_20 iter_args(%while3A_24 = %while3A_19) -> (i32)  : i32 {
      %mul3A_25 = arith.constant 32 : i32
      %mul3A_26 = arith.muli %while3A_23, %mul3A_25 : i32
      %add3A_27 = arith.addi %select_n3A_10, %mul3A_26 : i32
      "tpu.region"() ({
        %run_scoped3A = tpu.sem_alloc : memref<!tpu.dma_semaphore, #tpu.memory_space<semaphore_mem>>
        %dma_start3A_48 = arith.constant 0 : i32
        %dma_start3A_49 = tpu.memref_slice %arg3[%add3A_27, %dma_start3A_48] : memref<2560x128xi32, #tpu.memory_space<hbm>> -> memref<32x128xi32, #tpu.memory_space<hbm>>
        %dma_start3A_50 = arith.constant 0 : i32
        %dma_start3A_51 = tpu.memref_slice %arg3[%add3A_27, %dma_start3A_50] : memref<2560x128xi32, #tpu.memory_space<hbm>> -> memref<32x128xi32, #tpu.memory_space<hbm>>
        tpu.enqueue_dma source(%dma_start3A_51 : memref<32x128xi32, #tpu.memory_space<hbm>>) target(%arg8 : memref<32x128xi32, #tpu.memory_space<vmem>>) target_semaphore(%run_scoped3A : memref<!tpu.dma_semaphore, #tpu.memory_space<semaphore_mem>>)
        %dma_wait3A = arith.constant 0 : i32
        %dma_wait3A_52 = tpu.memref_slice %arg3[%add3A_27, %dma_wait3A] : memref<2560x128xi32, #tpu.memory_space<hbm>> -> memref<32x128xi32, #tpu.memory_space<hbm>>
        %dma_wait3A_53 = arith.constant 0 : i32
        %dma_wait3A_54 = tpu.memref_slice %arg3[%add3A_27, %dma_wait3A_53] : memref<2560x128xi32, #tpu.memory_space<hbm>> -> memref<32x128xi32, #tpu.memory_space<hbm>>
        tpu.wait_dma2 semaphore(%run_scoped3A : memref<!tpu.dma_semaphore, #tpu.memory_space<semaphore_mem>>) src(%dma_wait3A_54 : memref<32x128xi32, #tpu.memory_space<hbm>>) dst(%arg8 : memref<32x128xi32, #tpu.memory_space<vmem>>)
        tpu.yield
      }) : () -> ()
      "tpu.region"() ({
        %run_scoped3A = tpu.sem_alloc : memref<!tpu.dma_semaphore, #tpu.memory_space<semaphore_mem>>
        %dma_start3A_48 = arith.constant 0 : i32
        %dma_start3A_49 = tpu.memref_slice %arg4[%add3A_27, %dma_start3A_48] : memref<2560x128xi32, #tpu.memory_space<hbm>> -> memref<32x128xi32, #tpu.memory_space<hbm>>
        %dma_start3A_50 = arith.constant 0 : i32
        %dma_start3A_51 = tpu.memref_slice %arg4[%add3A_27, %dma_start3A_50] : memref<2560x128xi32, #tpu.memory_space<hbm>> -> memref<32x128xi32, #tpu.memory_space<hbm>>
        tpu.enqueue_dma source(%dma_start3A_51 : memref<32x128xi32, #tpu.memory_space<hbm>>) target(%arg9 : memref<32x128xi32, #tpu.memory_space<vmem>>) target_semaphore(%run_scoped3A : memref<!tpu.dma_semaphore, #tpu.memory_space<semaphore_mem>>)
        %dma_wait3A = arith.constant 0 : i32
        %dma_wait3A_52 = tpu.memref_slice %arg4[%add3A_27, %dma_wait3A] : memref<2560x128xi32, #tpu.memory_space<hbm>> -> memref<32x128xi32, #tpu.memory_space<hbm>>
        %dma_wait3A_53 = arith.constant 0 : i32
        %dma_wait3A_54 = tpu.memref_slice %arg4[%add3A_27, %dma_wait3A_53] : memref<2560x128xi32, #tpu.memory_space<hbm>> -> memref<32x128xi32, #tpu.memory_space<hbm>>
        tpu.wait_dma2 semaphore(%run_scoped3A : memref<!tpu.dma_semaphore, #tpu.memory_space<semaphore_mem>>) src(%dma_wait3A_54 : memref<32x128xi32, #tpu.memory_space<hbm>>) dst(%arg9 : memref<32x128xi32, #tpu.memory_space<vmem>>)
        tpu.yield
      }) : () -> ()
      %dma_start3A = arith.constant 0 : i32
      %dma_start3A_28 = arith.constant 0 : i32
      %dma_start3A_29 = tpu.memref_slice %arg8[%dma_start3A, %dma_start3A_28] : memref<32x128xi32, #tpu.memory_space<vmem>> -> memref<1x128xi32, #tpu.memory_space<vmem>>
      %dma_start3A_30 = tpu.memref_squeeze %dma_start3A_29 : memref<1x128xi32, #tpu.memory_space<vmem>> -> memref<128xi32, #tpu.memory_space<vmem>>
      %dma_start3A_31 = arith.constant 0 : i32
      %dma_start3A_32 = arith.constant 0 : i32
      %dma_start3A_33 = tpu.memref_slice %arg2[%dma_start3A_31, %dma_start3A_32] : memref<10000x128xf32, #tpu.memory_space<hbm>> -> memref<10000x128xf32, #tpu.memory_space<hbm>>
      tpu.enqueue_indirect_dma source(%dma_start3A_33 : memref<10000x128xf32, #tpu.memory_space<hbm>>) target(%arg10 : memref<128x128xf32, #tpu.memory_space<vmem>>) offsets(%dma_start3A_30 : memref<128xi32, #tpu.memory_space<vmem>>) semaphore(%arg12 : memref<!tpu.dma_semaphore, #tpu.memory_space<semaphore_mem>>)
      %dma_start3A_34 = arith.constant 1 : i32
      %dma_start3A_35 = arith.constant 0 : i32
      %dma_start3A_36 = tpu.memref_slice %arg8[%dma_start3A_34, %dma_start3A_35] : memref<32x128xi32, #tpu.memory_space<vmem>> -> memref<1x128xi32, #tpu.memory_space<vmem>>
      %dma_start3A_37 = tpu.memref_squeeze %dma_start3A_36 : memref<1x128xi32, #tpu.memory_space<vmem>> -> memref<128xi32, #tpu.memory_space<vmem>>
      %dma_start3A_38 = arith.constant 0 : i32
      %dma_start3A_39 = arith.constant 0 : i32
      %dma_start3A_40 = tpu.memref_slice %arg2[%dma_start3A_38, %dma_start3A_39] : memref<10000x128xf32, #tpu.memory_space<hbm>> -> memref<10000x128xf32, #tpu.memory_space<hbm>>
      tpu.enqueue_indirect_dma source(%dma_start3A_40 : memref<10000x128xf32, #tpu.memory_space<hbm>>) target(%arg11 : memref<128x128xf32, #tpu.memory_space<vmem>>) offsets(%dma_start3A_37 : memref<128xi32, #tpu.memory_space<vmem>>) semaphore(%arg13 : memref<!tpu.dma_semaphore, #tpu.memory_space<semaphore_mem>>)
      %scan3A = arith.constant 0 : i32
      %scan3A_41 = arith.constant 0 : i32
      %scan3A_42 = arith.constant 16 : i32
      %scan3A_43 = arith.addi %scan3A_41, %scan3A_42 : i32
      %scan3A_44 = arith.constant 1 : i32
      %scan3A_45 = scf.for %scan3A_48 = %scan3A_41 to %scan3A_43 step %scan3A_44 iter_args(%scan3A_49 = %scan3A) -> (i32)  : i32 {
        %mul3A_50 = arith.constant 2 : i32
        %mul3A_51 = arith.muli %scan3A_48, %mul3A_50 : i32
        %add3A_52 = arith.constant 0 : i32
        %add3A_53 = arith.addi %mul3A_51, %add3A_52 : i32
        %dma_wait3A = arith.constant 0 : i32
        %dma_wait3A_54 = tpu.memref_slice %arg8[%add3A_53, %dma_wait3A] : memref<32x128xi32, #tpu.memory_space<vmem>> -> memref<1x128xi32, #tpu.memory_space<vmem>>
        %dma_wait3A_55 = tpu.memref_squeeze %dma_wait3A_54 : memref<1x128xi32, #tpu.memory_space<vmem>> -> memref<128xi32, #tpu.memory_space<vmem>>
        %dma_wait3A_56 = arith.constant 0 : i32
        %dma_wait3A_57 = arith.constant 0 : i32
        %dma_wait3A_58 = tpu.memref_slice %arg2[%dma_wait3A_56, %dma_wait3A_57] : memref<10000x128xf32, #tpu.memory_space<hbm>> -> memref<10000x128xf32, #tpu.memory_space<hbm>>
        tpu.wait_indirect_dma semaphore(%arg12 : memref<!tpu.dma_semaphore, #tpu.memory_space<semaphore_mem>>) src(%dma_wait3A_58 : memref<10000x128xf32, #tpu.memory_space<hbm>>) dst(%arg10 : memref<128x128xf32, #tpu.memory_space<vmem>>)
        "tpu.region"() ({
          %run_scoped3A = tpu.sem_alloc : memref<!tpu.dma_semaphore, #tpu.memory_space<semaphore_mem>>
          %dma_start3A_81 = arith.constant 0 : i32
          %dma_start3A_82 = tpu.memref_slice %arg9[%add3A_53, %dma_start3A_81] : memref<32x128xi32, #tpu.memory_space<vmem>> -> memref<1x128xi32, #tpu.memory_space<vmem>>
          %dma_start3A_83 = tpu.memref_squeeze %dma_start3A_82 : memref<1x128xi32, #tpu.memory_space<vmem>> -> memref<128xi32, #tpu.memory_space<vmem>>
          %dma_start3A_84 = arith.constant 0 : i32
          %dma_start3A_85 = arith.constant 0 : i32
          %dma_start3A_86 = tpu.memref_slice %arg7[%dma_start3A_84, %dma_start3A_85] : memref<10240x128xf32, #tpu.memory_space<vmem_shared>> -> memref<10240x128xf32, #tpu.memory_space<vmem_shared>>
          tpu.enqueue_indirect_dma source(%arg10 : memref<128x128xf32, #tpu.memory_space<vmem>>) target(%dma_start3A_86 : memref<10240x128xf32, #tpu.memory_space<vmem_shared>>) offsets(%dma_start3A_83 : memref<128xi32, #tpu.memory_space<vmem>>) semaphore(%run_scoped3A : memref<!tpu.dma_semaphore, #tpu.memory_space<semaphore_mem>>) {add = true}
          %dma_wait3A_87 = arith.constant 0 : i32
          %dma_wait3A_88 = tpu.memref_slice %arg9[%add3A_53, %dma_wait3A_87] : memref<32x128xi32, #tpu.memory_space<vmem>> -> memref<1x128xi32, #tpu.memory_space<vmem>>
          %dma_wait3A_89 = tpu.memref_squeeze %dma_wait3A_88 : memref<1x128xi32, #tpu.memory_space<vmem>> -> memref<128xi32, #tpu.memory_space<vmem>>
          %dma_wait3A_90 = arith.constant 0 : i32
          %dma_wait3A_91 = arith.constant 0 : i32
          %dma_wait3A_92 = tpu.memref_slice %arg7[%dma_wait3A_90, %dma_wait3A_91] : memref<10240x128xf32, #tpu.memory_space<vmem_shared>> -> memref<10240x128xf32, #tpu.memory_space<vmem_shared>>
          tpu.wait_indirect_dma semaphore(%run_scoped3A : memref<!tpu.dma_semaphore, #tpu.memory_space<semaphore_mem>>) src(%arg10 : memref<128x128xf32, #tpu.memory_space<vmem>>) dst(%dma_wait3A_92 : memref<10240x128xf32, #tpu.memory_space<vmem_shared>>)
          tpu.yield
        }) : () -> ()
        %add3A_59 = arith.constant 2 : i32
        %add3A_60 = arith.addi %add3A_53, %add3A_59 : i32
        %lt3A = arith.constant 32 : i32
        %lt3A_61 = arith.cmpi slt, %add3A_60, %lt3A : i32
        %convert_element_type3A = arith.extui %lt3A_61 : i1 to i32
        %cond3A = arith.constant 0 : i32
        %cond3A_62 = arith.cmpi ne, %convert_element_type3A, %cond3A : i32
        scf.if %cond3A_62 {
          %dma_start3A_81 = arith.constant 0 : i32
          %dma_start3A_82 = tpu.memref_slice %arg8[%add3A_60, %dma_start3A_81] : memref<32x128xi32, #tpu.memory_space<vmem>> -> memref<1x128xi32, #tpu.memory_space<vmem>>
          %dma_start3A_83 = tpu.memref_squeeze %dma_start3A_82 : memref<1x128xi32, #tpu.memory_space<vmem>> -> memref<128xi32, #tpu.memory_space<vmem>>
          %dma_start3A_84 = arith.constant 0 : i32
          %dma_start3A_85 = arith.constant 0 : i32
          %dma_start3A_86 = tpu.memref_slice %arg2[%dma_start3A_84, %dma_start3A_85] : memref<10000x128xf32, #tpu.memory_space<hbm>> -> memref<10000x128xf32, #tpu.memory_space<hbm>>
          tpu.enqueue_indirect_dma source(%dma_start3A_86 : memref<10000x128xf32, #tpu.memory_space<hbm>>) target(%arg10 : memref<128x128xf32, #tpu.memory_space<vmem>>) offsets(%dma_start3A_83 : memref<128xi32, #tpu.memory_space<vmem>>) semaphore(%arg12 : memref<!tpu.dma_semaphore, #tpu.memory_space<semaphore_mem>>)
        } else {
        }
        %mul3A_63 = arith.constant 2 : i32
        %mul3A_64 = arith.muli %scan3A_48, %mul3A_63 : i32
        %add3A_65 = arith.constant 1 : i32
        %add3A_66 = arith.addi %mul3A_64, %add3A_65 : i32
        %dma_wait3A_67 = arith.constant 0 : i32
        %dma_wait3A_68 = tpu.memref_slice %arg8[%add3A_66, %dma_wait3A_67] : memref<32x128xi32, #tpu.memory_space<vmem>> -> memref<1x128xi32, #tpu.memory_space<vmem>>
        %dma_wait3A_69 = tpu.memref_squeeze %dma_wait3A_68 : memref<1x128xi32, #tpu.memory_space<vmem>> -> memref<128xi32, #tpu.memory_space<vmem>>
        %dma_wait3A_70 = arith.constant 0 : i32
        %dma_wait3A_71 = arith.constant 0 : i32
        %dma_wait3A_72 = tpu.memref_slice %arg2[%dma_wait3A_70, %dma_wait3A_71] : memref<10000x128xf32, #tpu.memory_space<hbm>> -> memref<10000x128xf32, #tpu.memory_space<hbm>>
        tpu.wait_indirect_dma semaphore(%arg13 : memref<!tpu.dma_semaphore, #tpu.memory_space<semaphore_mem>>) src(%dma_wait3A_72 : memref<10000x128xf32, #tpu.memory_space<hbm>>) dst(%arg11 : memref<128x128xf32, #tpu.memory_space<vmem>>)
        "tpu.region"() ({
          %run_scoped3A = tpu.sem_alloc : memref<!tpu.dma_semaphore, #tpu.memory_space<semaphore_mem>>
          %dma_start3A_81 = arith.constant 0 : i32
          %dma_start3A_82 = tpu.memref_slice %arg9[%add3A_66, %dma_start3A_81] : memref<32x128xi32, #tpu.memory_space<vmem>> -> memref<1x128xi32, #tpu.memory_space<vmem>>
          %dma_start3A_83 = tpu.memref_squeeze %dma_start3A_82 : memref<1x128xi32, #tpu.memory_space<vmem>> -> memref<128xi32, #tpu.memory_space<vmem>>
          %dma_start3A_84 = arith.constant 0 : i32
          %dma_start3A_85 = arith.constant 0 : i32
          %dma_start3A_86 = tpu.memref_slice %arg7[%dma_start3A_84, %dma_start3A_85] : memref<10240x128xf32, #tpu.memory_space<vmem_shared>> -> memref<10240x128xf32, #tpu.memory_space<vmem_shared>>
          tpu.enqueue_indirect_dma source(%arg11 : memref<128x128xf32, #tpu.memory_space<vmem>>) target(%dma_start3A_86 : memref<10240x128xf32, #tpu.memory_space<vmem_shared>>) offsets(%dma_start3A_83 : memref<128xi32, #tpu.memory_space<vmem>>) semaphore(%run_scoped3A : memref<!tpu.dma_semaphore, #tpu.memory_space<semaphore_mem>>) {add = true}
          %dma_wait3A_87 = arith.constant 0 : i32
          %dma_wait3A_88 = tpu.memref_slice %arg9[%add3A_66, %dma_wait3A_87] : memref<32x128xi32, #tpu.memory_space<vmem>> -> memref<1x128xi32, #tpu.memory_space<vmem>>
          %dma_wait3A_89 = tpu.memref_squeeze %dma_wait3A_88 : memref<1x128xi32, #tpu.memory_space<vmem>> -> memref<128xi32, #tpu.memory_space<vmem>>
          %dma_wait3A_90 = arith.constant 0 : i32
          %dma_wait3A_91 = arith.constant 0 : i32
          %dma_wait3A_92 = tpu.memref_slice %arg7[%dma_wait3A_90, %dma_wait3A_91] : memref<10240x128xf32, #tpu.memory_space<vmem_shared>> -> memref<10240x128xf32, #tpu.memory_space<vmem_shared>>
          tpu.wait_indirect_dma semaphore(%run_scoped3A : memref<!tpu.dma_semaphore, #tpu.memory_space<semaphore_mem>>) src(%arg11 : memref<128x128xf32, #tpu.memory_space<vmem>>) dst(%dma_wait3A_92 : memref<10240x128xf32, #tpu.memory_space<vmem_shared>>)
          tpu.yield
        }) : () -> ()
        %add3A_73 = arith.constant 2 : i32
        %add3A_74 = arith.addi %add3A_66, %add3A_73 : i32
        %lt3A_75 = arith.constant 32 : i32
        %lt3A_76 = arith.cmpi slt, %add3A_74, %lt3A_75 : i32
        %convert_element_type3A_77 = arith.extui %lt3A_76 : i1 to i32
        %cond3A_78 = arith.constant 0 : i32
        %cond3A_79 = arith.cmpi ne, %convert_element_type3A_77, %cond3A_78 : i32
        scf.if %cond3A_79 {
          %dma_start3A_81 = arith.constant 0 : i32
          %dma_start3A_82 = tpu.memref_slice %arg8[%add3A_74, %dma_start3A_81] : memref<32x128xi32, #tpu.memory_space<vmem>> -> memref<1x128xi32, #tpu.memory_space<vmem>>
          %dma_start3A_83 = tpu.memref_squeeze %dma_start3A_82 : memref<1x128xi32, #tpu.memory_space<vmem>> -> memref<128xi32, #tpu.memory_space<vmem>>
          %dma_start3A_84 = arith.constant 0 : i32
          %dma_start3A_85 = arith.constant 0 : i32
          %dma_start3A_86 = tpu.memref_slice %arg2[%dma_start3A_84, %dma_start3A_85] : memref<10000x128xf32, #tpu.memory_space<hbm>> -> memref<10000x128xf32, #tpu.memory_space<hbm>>
          tpu.enqueue_indirect_dma source(%dma_start3A_86 : memref<10000x128xf32, #tpu.memory_space<hbm>>) target(%arg11 : memref<128x128xf32, #tpu.memory_space<vmem>>) offsets(%dma_start3A_83 : memref<128xi32, #tpu.memory_space<vmem>>) semaphore(%arg13 : memref<!tpu.dma_semaphore, #tpu.memory_space<semaphore_mem>>)
        } else {
        }
        %scan3A_80 = arith.constant 0 : i32
        scf.yield %scan3A_80 : i32
      }
      %scan3A_46 = arith.constant 16 : i32
      %while3A_47 = arith.constant 0 : i32
      scf.yield %while3A_47 : i32
    }
    %barrier3A_22 = arith.constant 0 : index
    tpu.barrier barrier_id(%barrier3A_22)
    "tpu.region"() ({
      %run_scoped3A = tpu.sem_alloc : memref<!tpu.dma_semaphore, #tpu.memory_space<semaphore_mem>>
      %dma_start3A = arith.constant 0 : i32
      %dma_start3A_23 = tpu.memref_slice %arg6[%arg0, %mul3A_0, %dma_start3A] : memref<2x10240x128xf32, #tpu.memory_space<hbm>> -> memref<1x640x128xf32, #tpu.memory_space<hbm>>
      %dma_start3A_24 = tpu.memref_squeeze %dma_start3A_23 : memref<1x640x128xf32, #tpu.memory_space<hbm>> -> memref<640x128xf32, #tpu.memory_space<hbm>>
      %dma_start3A_25 = arith.constant 0 : i32
      %dma_start3A_26 = tpu.memref_slice %arg7[%mul3A_0, %dma_start3A_25] : memref<10240x128xf32, #tpu.memory_space<vmem_shared>> -> memref<640x128xf32, #tpu.memory_space<vmem_shared>>
      tpu.enqueue_dma source(%dma_start3A_26 : memref<640x128xf32, #tpu.memory_space<vmem_shared>>) target(%dma_start3A_24 : memref<640x128xf32, #tpu.memory_space<hbm>>) target_semaphore(%run_scoped3A : memref<!tpu.dma_semaphore, #tpu.memory_space<semaphore_mem>>)
      %dma_wait3A = arith.constant 0 : i32
      %dma_wait3A_27 = tpu.memref_slice %arg6[%arg0, %mul3A_0, %dma_wait3A] : memref<2x10240x128xf32, #tpu.memory_space<hbm>> -> memref<1x640x128xf32, #tpu.memory_space<hbm>>
      %dma_wait3A_28 = tpu.memref_squeeze %dma_wait3A_27 : memref<1x640x128xf32, #tpu.memory_space<hbm>> -> memref<640x128xf32, #tpu.memory_space<hbm>>
      %dma_wait3A_29 = arith.constant 0 : i32
      %dma_wait3A_30 = tpu.memref_slice %arg7[%mul3A_0, %dma_wait3A_29] : memref<10240x128xf32, #tpu.memory_space<vmem_shared>> -> memref<640x128xf32, #tpu.memory_space<vmem_shared>>
      tpu.wait_dma2 semaphore(%run_scoped3A : memref<!tpu.dma_semaphore, #tpu.memory_space<semaphore_mem>>) src(%dma_wait3A_30 : memref<640x128xf32, #tpu.memory_space<vmem_shared>>) dst(%dma_wait3A_28 : memref<640x128xf32, #tpu.memory_space<hbm>>)
      tpu.yield
    }) : () -> ()
    return
  }
}

#map = affine_map<(d0, d1) -> (0, 0)>
#map1 = affine_map<(d0, d1) -> (0, 0, 0)>
module attributes {stable_mosaic.version = 14 : i64} {
  func.func @_sc_agg_body(%arg0: i32, %arg1: i32, %arg2: memref<10000x128xf32, #tpu.memory_space<hbm>>, %arg3: memref<2560x128xi32, #tpu.memory_space<hbm>>, %arg4: memref<2560x128xi32, #tpu.memory_space<hbm>>, %arg5: memref<640x128xf32, #tpu.memory_space<hbm>>, %arg6: memref<2x10240x128xf32, #tpu.memory_space<hbm>>, %arg7: memref<10240x128xf32, #tpu.memory_space<vmem_shared>>, %arg8: memref<32x128xi32, #tpu.memory_space<vmem>>, %arg9: memref<32x128xi32, #tpu.memory_space<vmem>>, %arg10: memref<128x128xf32, #tpu.memory_space<vmem>>, %arg11: memref<128x128xf32, #tpu.memory_space<vmem>>, %arg12: memref<!tpu.dma_semaphore, #tpu.memory_space<semaphore_mem>>, %arg13: memref<!tpu.dma_semaphore, #tpu.memory_space<semaphore_mem>>) attributes {dimension_semantics = [#tpu.dimension_semantics<core_parallel>, #tpu.dimension_semantics<subcore_parallel>], iteration_bounds = array<i64: 2, 16>, scalar_prefetch = 0 : i64, scratch_operands = 7 : i64, tpu.core_type = #tpu.core_type<sc_vector_subcore>, window_params = [{transform_indices = #map}, {transform_indices = #map}, {transform_indices = #map}, {transform_indices = #map}, {transform_indices = #map1}]} {
    %mul3A = arith.constant 640 : i32
    %mul3A_0 = arith.muli %arg1, %mul3A : i32
    %eq3A = arith.constant 0 : i32
    %eq3A_1 = arith.cmpi eq, %arg0, %eq3A : i32
    %jit3A = arith.constant 4 : i32
    %jit3A_2 = arith.constant 1 : i32
    %select_n3A = arith.select %eq3A_1, %jit3A, %jit3A_2 : i32
    %eq3A_3 = arith.constant 0 : i32
    %eq3A_4 = arith.cmpi eq, %arg0, %eq3A_3 : i32
    %mul3A_5 = arith.constant 128 : i32
    %mul3A_6 = arith.muli %arg1, %mul3A_5 : i32
    %mul3A_7 = arith.constant 32 : i32
    %mul3A_8 = arith.muli %arg1, %mul3A_7 : i32
    %add3A = arith.constant 2048 : i32
    %add3A_9 = arith.addi %add3A, %mul3A_8 : i32
    %select_n3A_10 = arith.select %eq3A_4, %mul3A_6, %add3A_9 : i32
    "tpu.region"() ({
      %run_scoped3A = tpu.sem_alloc : memref<!tpu.dma_semaphore, #tpu.memory_space<semaphore_mem>>
      %dma_start3A = arith.constant 0 : i32
      %dma_start3A_23 = tpu.memref_slice %arg7[%mul3A_0, %dma_start3A] : memref<10240x128xf32, #tpu.memory_space<vmem_shared>> -> memref<640x128xf32, #tpu.memory_space<vmem_shared>>
      tpu.enqueue_dma source(%arg5 : memref<640x128xf32, #tpu.memory_space<hbm>>) target(%dma_start3A_23 : memref<640x128xf32, #tpu.memory_space<vmem_shared>>) target_semaphore(%run_scoped3A : memref<!tpu.dma_semaphore, #tpu.memory_space<semaphore_mem>>)
      %dma_wait3A = arith.constant 0 : i32
      %dma_wait3A_24 = tpu.memref_slice %arg7[%mul3A_0, %dma_wait3A] : memref<10240x128xf32, #tpu.memory_space<vmem_shared>> -> memref<640x128xf32, #tpu.memory_space<vmem_shared>>
      tpu.wait_dma2 semaphore(%run_scoped3A : memref<!tpu.dma_semaphore, #tpu.memory_space<semaphore_mem>>) src(%arg5 : memref<640x128xf32, #tpu.memory_space<hbm>>) dst(%dma_wait3A_24 : memref<640x128xf32, #tpu.memory_space<vmem_shared>>)
      tpu.yield
    }) : () -> ()
    %barrier3A = arith.constant 0 : index
    tpu.barrier barrier_id(%barrier3A)
    %while3A = arith.constant 0 : i32
    %while3A_11 = arith.constant 0 : i32
    %while3A_12 = arith.subi %select_n3A, %while3A : i32
    %while3A_13 = arith.addi %while3A, %while3A_12 : i32
    %while3A_14 = arith.constant 1 : i32
    %while3A_15 = arith.divsi %while3A_12, %while3A_14 : i32
    %while3A_16 = arith.muli %while3A_15, %while3A_14 : i32
    %while3A_17 = arith.addi %while3A, %while3A_16 : i32
    %while3A_18 = arith.constant 1 : i32
    %while3A_19 = scf.for %while3A_23 = %while3A to %while3A_17 step %while3A_18 iter_args(%while3A_24 = %while3A_11) -> (i32)  : i32 {
      %mul3A_25 = arith.constant 32 : i32
      %mul3A_26 = arith.muli %while3A_23, %mul3A_25 : i32
      %add3A_27 = arith.addi %select_n3A_10, %mul3A_26 : i32
      "tpu.region"() ({
        %run_scoped3A = tpu.sem_alloc : memref<!tpu.dma_semaphore, #tpu.memory_space<semaphore_mem>>
        %dma_start3A_48 = arith.constant 0 : i32
        %dma_start3A_49 = tpu.memref_slice %arg3[%add3A_27, %dma_start3A_48] : memref<2560x128xi32, #tpu.memory_space<hbm>> -> memref<32x128xi32, #tpu.memory_space<hbm>>
        %dma_start3A_50 = arith.constant 0 : i32
        %dma_start3A_51 = tpu.memref_slice %arg3[%add3A_27, %dma_start3A_50] : memref<2560x128xi32, #tpu.memory_space<hbm>> -> memref<32x128xi32, #tpu.memory_space<hbm>>
        tpu.enqueue_dma source(%dma_start3A_51 : memref<32x128xi32, #tpu.memory_space<hbm>>) target(%arg8 : memref<32x128xi32, #tpu.memory_space<vmem>>) target_semaphore(%run_scoped3A : memref<!tpu.dma_semaphore, #tpu.memory_space<semaphore_mem>>)
        %dma_wait3A = arith.constant 0 : i32
        %dma_wait3A_52 = tpu.memref_slice %arg3[%add3A_27, %dma_wait3A] : memref<2560x128xi32, #tpu.memory_space<hbm>> -> memref<32x128xi32, #tpu.memory_space<hbm>>
        %dma_wait3A_53 = arith.constant 0 : i32
        %dma_wait3A_54 = tpu.memref_slice %arg3[%add3A_27, %dma_wait3A_53] : memref<2560x128xi32, #tpu.memory_space<hbm>> -> memref<32x128xi32, #tpu.memory_space<hbm>>
        tpu.wait_dma2 semaphore(%run_scoped3A : memref<!tpu.dma_semaphore, #tpu.memory_space<semaphore_mem>>) src(%dma_wait3A_54 : memref<32x128xi32, #tpu.memory_space<hbm>>) dst(%arg8 : memref<32x128xi32, #tpu.memory_space<vmem>>)
        tpu.yield
      }) : () -> ()
      "tpu.region"() ({
        %run_scoped3A = tpu.sem_alloc : memref<!tpu.dma_semaphore, #tpu.memory_space<semaphore_mem>>
        %dma_start3A_48 = arith.constant 0 : i32
        %dma_start3A_49 = tpu.memref_slice %arg4[%add3A_27, %dma_start3A_48] : memref<2560x128xi32, #tpu.memory_space<hbm>> -> memref<32x128xi32, #tpu.memory_space<hbm>>
        %dma_start3A_50 = arith.constant 0 : i32
        %dma_start3A_51 = tpu.memref_slice %arg4[%add3A_27, %dma_start3A_50] : memref<2560x128xi32, #tpu.memory_space<hbm>> -> memref<32x128xi32, #tpu.memory_space<hbm>>
        tpu.enqueue_dma source(%dma_start3A_51 : memref<32x128xi32, #tpu.memory_space<hbm>>) target(%arg9 : memref<32x128xi32, #tpu.memory_space<vmem>>) target_semaphore(%run_scoped3A : memref<!tpu.dma_semaphore, #tpu.memory_space<semaphore_mem>>)
        %dma_wait3A = arith.constant 0 : i32
        %dma_wait3A_52 = tpu.memref_slice %arg4[%add3A_27, %dma_wait3A] : memref<2560x128xi32, #tpu.memory_space<hbm>> -> memref<32x128xi32, #tpu.memory_space<hbm>>
        %dma_wait3A_53 = arith.constant 0 : i32
        %dma_wait3A_54 = tpu.memref_slice %arg4[%add3A_27, %dma_wait3A_53] : memref<2560x128xi32, #tpu.memory_space<hbm>> -> memref<32x128xi32, #tpu.memory_space<hbm>>
        tpu.wait_dma2 semaphore(%run_scoped3A : memref<!tpu.dma_semaphore, #tpu.memory_space<semaphore_mem>>) src(%dma_wait3A_54 : memref<32x128xi32, #tpu.memory_space<hbm>>) dst(%arg9 : memref<32x128xi32, #tpu.memory_space<vmem>>)
        tpu.yield
      }) : () -> ()
      %dma_start3A = arith.constant 0 : i32
      %dma_start3A_28 = arith.constant 0 : i32
      %dma_start3A_29 = tpu.memref_slice %arg8[%dma_start3A, %dma_start3A_28] : memref<32x128xi32, #tpu.memory_space<vmem>> -> memref<1x128xi32, #tpu.memory_space<vmem>>
      %dma_start3A_30 = tpu.memref_squeeze %dma_start3A_29 : memref<1x128xi32, #tpu.memory_space<vmem>> -> memref<128xi32, #tpu.memory_space<vmem>>
      %dma_start3A_31 = arith.constant 0 : i32
      %dma_start3A_32 = arith.constant 0 : i32
      %dma_start3A_33 = tpu.memref_slice %arg2[%dma_start3A_31, %dma_start3A_32] : memref<10000x128xf32, #tpu.memory_space<hbm>> -> memref<10000x128xf32, #tpu.memory_space<hbm>>
      tpu.enqueue_indirect_dma source(%dma_start3A_33 : memref<10000x128xf32, #tpu.memory_space<hbm>>) target(%arg10 : memref<128x128xf32, #tpu.memory_space<vmem>>) offsets(%dma_start3A_30 : memref<128xi32, #tpu.memory_space<vmem>>) semaphore(%arg12 : memref<!tpu.dma_semaphore, #tpu.memory_space<semaphore_mem>>)
      %dma_start3A_34 = arith.constant 1 : i32
      %dma_start3A_35 = arith.constant 0 : i32
      %dma_start3A_36 = tpu.memref_slice %arg8[%dma_start3A_34, %dma_start3A_35] : memref<32x128xi32, #tpu.memory_space<vmem>> -> memref<1x128xi32, #tpu.memory_space<vmem>>
      %dma_start3A_37 = tpu.memref_squeeze %dma_start3A_36 : memref<1x128xi32, #tpu.memory_space<vmem>> -> memref<128xi32, #tpu.memory_space<vmem>>
      %dma_start3A_38 = arith.constant 0 : i32
      %dma_start3A_39 = arith.constant 0 : i32
      %dma_start3A_40 = tpu.memref_slice %arg2[%dma_start3A_38, %dma_start3A_39] : memref<10000x128xf32, #tpu.memory_space<hbm>> -> memref<10000x128xf32, #tpu.memory_space<hbm>>
      tpu.enqueue_indirect_dma source(%dma_start3A_40 : memref<10000x128xf32, #tpu.memory_space<hbm>>) target(%arg11 : memref<128x128xf32, #tpu.memory_space<vmem>>) offsets(%dma_start3A_37 : memref<128xi32, #tpu.memory_space<vmem>>) semaphore(%arg13 : memref<!tpu.dma_semaphore, #tpu.memory_space<semaphore_mem>>)
      %scan3A = arith.constant 0 : i32
      %scan3A_41 = arith.constant 0 : i32
      %scan3A_42 = arith.constant 16 : i32
      %scan3A_43 = arith.addi %scan3A_41, %scan3A_42 : i32
      %scan3A_44 = arith.constant 1 : i32
      %scan3A_45 = scf.for %scan3A_48 = %scan3A_41 to %scan3A_43 step %scan3A_44 iter_args(%scan3A_49 = %scan3A) -> (i32)  : i32 {
        %mul3A_50 = arith.constant 2 : i32
        %mul3A_51 = arith.muli %scan3A_48, %mul3A_50 : i32
        %add3A_52 = arith.constant 0 : i32
        %add3A_53 = arith.addi %mul3A_51, %add3A_52 : i32
        %dma_wait3A = arith.constant 0 : i32
        %dma_wait3A_54 = tpu.memref_slice %arg8[%add3A_53, %dma_wait3A] : memref<32x128xi32, #tpu.memory_space<vmem>> -> memref<1x128xi32, #tpu.memory_space<vmem>>
        %dma_wait3A_55 = tpu.memref_squeeze %dma_wait3A_54 : memref<1x128xi32, #tpu.memory_space<vmem>> -> memref<128xi32, #tpu.memory_space<vmem>>
        %dma_wait3A_56 = arith.constant 0 : i32
        %dma_wait3A_57 = arith.constant 0 : i32
        %dma_wait3A_58 = tpu.memref_slice %arg2[%dma_wait3A_56, %dma_wait3A_57] : memref<10000x128xf32, #tpu.memory_space<hbm>> -> memref<10000x128xf32, #tpu.memory_space<hbm>>
        tpu.wait_indirect_dma semaphore(%arg12 : memref<!tpu.dma_semaphore, #tpu.memory_space<semaphore_mem>>) src(%dma_wait3A_58 : memref<10000x128xf32, #tpu.memory_space<hbm>>) dst(%arg10 : memref<128x128xf32, #tpu.memory_space<vmem>>)
        "tpu.region"() ({
          %run_scoped3A = tpu.sem_alloc : memref<!tpu.dma_semaphore, #tpu.memory_space<semaphore_mem>>
          %dma_start3A_81 = arith.constant 0 : i32
          %dma_start3A_82 = tpu.memref_slice %arg9[%add3A_53, %dma_start3A_81] : memref<32x128xi32, #tpu.memory_space<vmem>> -> memref<1x128xi32, #tpu.memory_space<vmem>>
          %dma_start3A_83 = tpu.memref_squeeze %dma_start3A_82 : memref<1x128xi32, #tpu.memory_space<vmem>> -> memref<128xi32, #tpu.memory_space<vmem>>
          %dma_start3A_84 = arith.constant 0 : i32
          %dma_start3A_85 = arith.constant 0 : i32
          %dma_start3A_86 = tpu.memref_slice %arg7[%dma_start3A_84, %dma_start3A_85] : memref<10240x128xf32, #tpu.memory_space<vmem_shared>> -> memref<10240x128xf32, #tpu.memory_space<vmem_shared>>
          tpu.enqueue_indirect_dma source(%arg10 : memref<128x128xf32, #tpu.memory_space<vmem>>) target(%dma_start3A_86 : memref<10240x128xf32, #tpu.memory_space<vmem_shared>>) offsets(%dma_start3A_83 : memref<128xi32, #tpu.memory_space<vmem>>) semaphore(%run_scoped3A : memref<!tpu.dma_semaphore, #tpu.memory_space<semaphore_mem>>) {add = true}
          %dma_wait3A_87 = arith.constant 0 : i32
          %dma_wait3A_88 = tpu.memref_slice %arg9[%add3A_53, %dma_wait3A_87] : memref<32x128xi32, #tpu.memory_space<vmem>> -> memref<1x128xi32, #tpu.memory_space<vmem>>
          %dma_wait3A_89 = tpu.memref_squeeze %dma_wait3A_88 : memref<1x128xi32, #tpu.memory_space<vmem>> -> memref<128xi32, #tpu.memory_space<vmem>>
          %dma_wait3A_90 = arith.constant 0 : i32
          %dma_wait3A_91 = arith.constant 0 : i32
          %dma_wait3A_92 = tpu.memref_slice %arg7[%dma_wait3A_90, %dma_wait3A_91] : memref<10240x128xf32, #tpu.memory_space<vmem_shared>> -> memref<10240x128xf32, #tpu.memory_space<vmem_shared>>
          tpu.wait_indirect_dma semaphore(%run_scoped3A : memref<!tpu.dma_semaphore, #tpu.memory_space<semaphore_mem>>) src(%arg10 : memref<128x128xf32, #tpu.memory_space<vmem>>) dst(%dma_wait3A_92 : memref<10240x128xf32, #tpu.memory_space<vmem_shared>>)
          tpu.yield
        }) : () -> ()
        %add3A_59 = arith.constant 2 : i32
        %add3A_60 = arith.addi %add3A_53, %add3A_59 : i32
        %lt3A = arith.constant 32 : i32
        %lt3A_61 = arith.cmpi slt, %add3A_60, %lt3A : i32
        %convert_element_type3A = arith.extui %lt3A_61 : i1 to i32
        %cond3A = arith.constant 0 : i32
        %cond3A_62 = arith.cmpi ne, %convert_element_type3A, %cond3A : i32
        scf.if %cond3A_62 {
          %dma_start3A_81 = arith.constant 0 : i32
          %dma_start3A_82 = tpu.memref_slice %arg8[%add3A_60, %dma_start3A_81] : memref<32x128xi32, #tpu.memory_space<vmem>> -> memref<1x128xi32, #tpu.memory_space<vmem>>
          %dma_start3A_83 = tpu.memref_squeeze %dma_start3A_82 : memref<1x128xi32, #tpu.memory_space<vmem>> -> memref<128xi32, #tpu.memory_space<vmem>>
          %dma_start3A_84 = arith.constant 0 : i32
          %dma_start3A_85 = arith.constant 0 : i32
          %dma_start3A_86 = tpu.memref_slice %arg2[%dma_start3A_84, %dma_start3A_85] : memref<10000x128xf32, #tpu.memory_space<hbm>> -> memref<10000x128xf32, #tpu.memory_space<hbm>>
          tpu.enqueue_indirect_dma source(%dma_start3A_86 : memref<10000x128xf32, #tpu.memory_space<hbm>>) target(%arg10 : memref<128x128xf32, #tpu.memory_space<vmem>>) offsets(%dma_start3A_83 : memref<128xi32, #tpu.memory_space<vmem>>) semaphore(%arg12 : memref<!tpu.dma_semaphore, #tpu.memory_space<semaphore_mem>>)
        } else {
        }
        %mul3A_63 = arith.constant 2 : i32
        %mul3A_64 = arith.muli %scan3A_48, %mul3A_63 : i32
        %add3A_65 = arith.constant 1 : i32
        %add3A_66 = arith.addi %mul3A_64, %add3A_65 : i32
        %dma_wait3A_67 = arith.constant 0 : i32
        %dma_wait3A_68 = tpu.memref_slice %arg8[%add3A_66, %dma_wait3A_67] : memref<32x128xi32, #tpu.memory_space<vmem>> -> memref<1x128xi32, #tpu.memory_space<vmem>>
        %dma_wait3A_69 = tpu.memref_squeeze %dma_wait3A_68 : memref<1x128xi32, #tpu.memory_space<vmem>> -> memref<128xi32, #tpu.memory_space<vmem>>
        %dma_wait3A_70 = arith.constant 0 : i32
        %dma_wait3A_71 = arith.constant 0 : i32
        %dma_wait3A_72 = tpu.memref_slice %arg2[%dma_wait3A_70, %dma_wait3A_71] : memref<10000x128xf32, #tpu.memory_space<hbm>> -> memref<10000x128xf32, #tpu.memory_space<hbm>>
        tpu.wait_indirect_dma semaphore(%arg13 : memref<!tpu.dma_semaphore, #tpu.memory_space<semaphore_mem>>) src(%dma_wait3A_72 : memref<10000x128xf32, #tpu.memory_space<hbm>>) dst(%arg11 : memref<128x128xf32, #tpu.memory_space<vmem>>)
        "tpu.region"() ({
          %run_scoped3A = tpu.sem_alloc : memref<!tpu.dma_semaphore, #tpu.memory_space<semaphore_mem>>
          %dma_start3A_81 = arith.constant 0 : i32
          %dma_start3A_82 = tpu.memref_slice %arg9[%add3A_66, %dma_start3A_81] : memref<32x128xi32, #tpu.memory_space<vmem>> -> memref<1x128xi32, #tpu.memory_space<vmem>>
          %dma_start3A_83 = tpu.memref_squeeze %dma_start3A_82 : memref<1x128xi32, #tpu.memory_space<vmem>> -> memref<128xi32, #tpu.memory_space<vmem>>
          %dma_start3A_84 = arith.constant 0 : i32
          %dma_start3A_85 = arith.constant 0 : i32
          %dma_start3A_86 = tpu.memref_slice %arg7[%dma_start3A_84, %dma_start3A_85] : memref<10240x128xf32, #tpu.memory_space<vmem_shared>> -> memref<10240x128xf32, #tpu.memory_space<vmem_shared>>
          tpu.enqueue_indirect_dma source(%arg11 : memref<128x128xf32, #tpu.memory_space<vmem>>) target(%dma_start3A_86 : memref<10240x128xf32, #tpu.memory_space<vmem_shared>>) offsets(%dma_start3A_83 : memref<128xi32, #tpu.memory_space<vmem>>) semaphore(%run_scoped3A : memref<!tpu.dma_semaphore, #tpu.memory_space<semaphore_mem>>) {add = true}
          %dma_wait3A_87 = arith.constant 0 : i32
          %dma_wait3A_88 = tpu.memref_slice %arg9[%add3A_66, %dma_wait3A_87] : memref<32x128xi32, #tpu.memory_space<vmem>> -> memref<1x128xi32, #tpu.memory_space<vmem>>
          %dma_wait3A_89 = tpu.memref_squeeze %dma_wait3A_88 : memref<1x128xi32, #tpu.memory_space<vmem>> -> memref<128xi32, #tpu.memory_space<vmem>>
          %dma_wait3A_90 = arith.constant 0 : i32
          %dma_wait3A_91 = arith.constant 0 : i32
          %dma_wait3A_92 = tpu.memref_slice %arg7[%dma_wait3A_90, %dma_wait3A_91] : memref<10240x128xf32, #tpu.memory_space<vmem_shared>> -> memref<10240x128xf32, #tpu.memory_space<vmem_shared>>
          tpu.wait_indirect_dma semaphore(%run_scoped3A : memref<!tpu.dma_semaphore, #tpu.memory_space<semaphore_mem>>) src(%arg11 : memref<128x128xf32, #tpu.memory_space<vmem>>) dst(%dma_wait3A_92 : memref<10240x128xf32, #tpu.memory_space<vmem_shared>>)
          tpu.yield
        }) : () -> ()
        %add3A_73 = arith.constant 2 : i32
        %add3A_74 = arith.addi %add3A_66, %add3A_73 : i32
        %lt3A_75 = arith.constant 32 : i32
        %lt3A_76 = arith.cmpi slt, %add3A_74, %lt3A_75 : i32
        %convert_element_type3A_77 = arith.extui %lt3A_76 : i1 to i32
        %cond3A_78 = arith.constant 0 : i32
        %cond3A_79 = arith.cmpi ne, %convert_element_type3A_77, %cond3A_78 : i32
        scf.if %cond3A_79 {
          %dma_start3A_81 = arith.constant 0 : i32
          %dma_start3A_82 = tpu.memref_slice %arg8[%add3A_74, %dma_start3A_81] : memref<32x128xi32, #tpu.memory_space<vmem>> -> memref<1x128xi32, #tpu.memory_space<vmem>>
          %dma_start3A_83 = tpu.memref_squeeze %dma_start3A_82 : memref<1x128xi32, #tpu.memory_space<vmem>> -> memref<128xi32, #tpu.memory_space<vmem>>
          %dma_start3A_84 = arith.constant 0 : i32
          %dma_start3A_85 = arith.constant 0 : i32
          %dma_start3A_86 = tpu.memref_slice %arg2[%dma_start3A_84, %dma_start3A_85] : memref<10000x128xf32, #tpu.memory_space<hbm>> -> memref<10000x128xf32, #tpu.memory_space<hbm>>
          tpu.enqueue_indirect_dma source(%dma_start3A_86 : memref<10000x128xf32, #tpu.memory_space<hbm>>) target(%arg11 : memref<128x128xf32, #tpu.memory_space<vmem>>) offsets(%dma_start3A_83 : memref<128xi32, #tpu.memory_space<vmem>>) semaphore(%arg13 : memref<!tpu.dma_semaphore, #tpu.memory_space<semaphore_mem>>)
        } else {
        }
        %scan3A_80 = arith.constant 0 : i32
        scf.yield %scan3A_80 : i32
      }
      %scan3A_46 = arith.constant 16 : i32
      %while3A_47 = arith.constant 0 : i32
      scf.yield %while3A_47 : i32
    }
    %while3A_20 = arith.constant 1 : i32
    %while3A_21 = scf.for %while3A_23 = %while3A_17 to %while3A_13 step %while3A_20 iter_args(%while3A_24 = %while3A_19) -> (i32)  : i32 {
      %mul3A_25 = arith.constant 32 : i32
      %mul3A_26 = arith.muli %while3A_23, %mul3A_25 : i32
      %add3A_27 = arith.addi %select_n3A_10, %mul3A_26 : i32
      "tpu.region"() ({
        %run_scoped3A = tpu.sem_alloc : memref<!tpu.dma_semaphore, #tpu.memory_space<semaphore_mem>>
        %dma_start3A_48 = arith.constant 0 : i32
        %dma_start3A_49 = tpu.memref_slice %arg3[%add3A_27, %dma_start3A_48] : memref<2560x128xi32, #tpu.memory_space<hbm>> -> memref<32x128xi32, #tpu.memory_space<hbm>>
        %dma_start3A_50 = arith.constant 0 : i32
        %dma_start3A_51 = tpu.memref_slice %arg3[%add3A_27, %dma_start3A_50] : memref<2560x128xi32, #tpu.memory_space<hbm>> -> memref<32x128xi32, #tpu.memory_space<hbm>>
        tpu.enqueue_dma source(%dma_start3A_51 : memref<32x128xi32, #tpu.memory_space<hbm>>) target(%arg8 : memref<32x128xi32, #tpu.memory_space<vmem>>) target_semaphore(%run_scoped3A : memref<!tpu.dma_semaphore, #tpu.memory_space<semaphore_mem>>)
        %dma_wait3A = arith.constant 0 : i32
        %dma_wait3A_52 = tpu.memref_slice %arg3[%add3A_27, %dma_wait3A] : memref<2560x128xi32, #tpu.memory_space<hbm>> -> memref<32x128xi32, #tpu.memory_space<hbm>>
        %dma_wait3A_53 = arith.constant 0 : i32
        %dma_wait3A_54 = tpu.memref_slice %arg3[%add3A_27, %dma_wait3A_53] : memref<2560x128xi32, #tpu.memory_space<hbm>> -> memref<32x128xi32, #tpu.memory_space<hbm>>
        tpu.wait_dma2 semaphore(%run_scoped3A : memref<!tpu.dma_semaphore, #tpu.memory_space<semaphore_mem>>) src(%dma_wait3A_54 : memref<32x128xi32, #tpu.memory_space<hbm>>) dst(%arg8 : memref<32x128xi32, #tpu.memory_space<vmem>>)
        tpu.yield
      }) : () -> ()
      "tpu.region"() ({
        %run_scoped3A = tpu.sem_alloc : memref<!tpu.dma_semaphore, #tpu.memory_space<semaphore_mem>>
        %dma_start3A_48 = arith.constant 0 : i32
        %dma_start3A_49 = tpu.memref_slice %arg4[%add3A_27, %dma_start3A_48] : memref<2560x128xi32, #tpu.memory_space<hbm>> -> memref<32x128xi32, #tpu.memory_space<hbm>>
        %dma_start3A_50 = arith.constant 0 : i32
        %dma_start3A_51 = tpu.memref_slice %arg4[%add3A_27, %dma_start3A_50] : memref<2560x128xi32, #tpu.memory_space<hbm>> -> memref<32x128xi32, #tpu.memory_space<hbm>>
        tpu.enqueue_dma source(%dma_start3A_51 : memref<32x128xi32, #tpu.memory_space<hbm>>) target(%arg9 : memref<32x128xi32, #tpu.memory_space<vmem>>) target_semaphore(%run_scoped3A : memref<!tpu.dma_semaphore, #tpu.memory_space<semaphore_mem>>)
        %dma_wait3A = arith.constant 0 : i32
        %dma_wait3A_52 = tpu.memref_slice %arg4[%add3A_27, %dma_wait3A] : memref<2560x128xi32, #tpu.memory_space<hbm>> -> memref<32x128xi32, #tpu.memory_space<hbm>>
        %dma_wait3A_53 = arith.constant 0 : i32
        %dma_wait3A_54 = tpu.memref_slice %arg4[%add3A_27, %dma_wait3A_53] : memref<2560x128xi32, #tpu.memory_space<hbm>> -> memref<32x128xi32, #tpu.memory_space<hbm>>
        tpu.wait_dma2 semaphore(%run_scoped3A : memref<!tpu.dma_semaphore, #tpu.memory_space<semaphore_mem>>) src(%dma_wait3A_54 : memref<32x128xi32, #tpu.memory_space<hbm>>) dst(%arg9 : memref<32x128xi32, #tpu.memory_space<vmem>>)
        tpu.yield
      }) : () -> ()
      %dma_start3A = arith.constant 0 : i32
      %dma_start3A_28 = arith.constant 0 : i32
      %dma_start3A_29 = tpu.memref_slice %arg8[%dma_start3A, %dma_start3A_28] : memref<32x128xi32, #tpu.memory_space<vmem>> -> memref<1x128xi32, #tpu.memory_space<vmem>>
      %dma_start3A_30 = tpu.memref_squeeze %dma_start3A_29 : memref<1x128xi32, #tpu.memory_space<vmem>> -> memref<128xi32, #tpu.memory_space<vmem>>
      %dma_start3A_31 = arith.constant 0 : i32
      %dma_start3A_32 = arith.constant 0 : i32
      %dma_start3A_33 = tpu.memref_slice %arg2[%dma_start3A_31, %dma_start3A_32] : memref<10000x128xf32, #tpu.memory_space<hbm>> -> memref<10000x128xf32, #tpu.memory_space<hbm>>
      tpu.enqueue_indirect_dma source(%dma_start3A_33 : memref<10000x128xf32, #tpu.memory_space<hbm>>) target(%arg10 : memref<128x128xf32, #tpu.memory_space<vmem>>) offsets(%dma_start3A_30 : memref<128xi32, #tpu.memory_space<vmem>>) semaphore(%arg12 : memref<!tpu.dma_semaphore, #tpu.memory_space<semaphore_mem>>)
      %dma_start3A_34 = arith.constant 1 : i32
      %dma_start3A_35 = arith.constant 0 : i32
      %dma_start3A_36 = tpu.memref_slice %arg8[%dma_start3A_34, %dma_start3A_35] : memref<32x128xi32, #tpu.memory_space<vmem>> -> memref<1x128xi32, #tpu.memory_space<vmem>>
      %dma_start3A_37 = tpu.memref_squeeze %dma_start3A_36 : memref<1x128xi32, #tpu.memory_space<vmem>> -> memref<128xi32, #tpu.memory_space<vmem>>
      %dma_start3A_38 = arith.constant 0 : i32
      %dma_start3A_39 = arith.constant 0 : i32
      %dma_start3A_40 = tpu.memref_slice %arg2[%dma_start3A_38, %dma_start3A_39] : memref<10000x128xf32, #tpu.memory_space<hbm>> -> memref<10000x128xf32, #tpu.memory_space<hbm>>
      tpu.enqueue_indirect_dma source(%dma_start3A_40 : memref<10000x128xf32, #tpu.memory_space<hbm>>) target(%arg11 : memref<128x128xf32, #tpu.memory_space<vmem>>) offsets(%dma_start3A_37 : memref<128xi32, #tpu.memory_space<vmem>>) semaphore(%arg13 : memref<!tpu.dma_semaphore, #tpu.memory_space<semaphore_mem>>)
      %scan3A = arith.constant 0 : i32
      %scan3A_41 = arith.constant 0 : i32
      %scan3A_42 = arith.constant 16 : i32
      %scan3A_43 = arith.addi %scan3A_41, %scan3A_42 : i32
      %scan3A_44 = arith.constant 1 : i32
      %scan3A_45 = scf.for %scan3A_48 = %scan3A_41 to %scan3A_43 step %scan3A_44 iter_args(%scan3A_49 = %scan3A) -> (i32)  : i32 {
        %mul3A_50 = arith.constant 2 : i32
        %mul3A_51 = arith.muli %scan3A_48, %mul3A_50 : i32
        %add3A_52 = arith.constant 0 : i32
        %add3A_53 = arith.addi %mul3A_51, %add3A_52 : i32
        %dma_wait3A = arith.constant 0 : i32
        %dma_wait3A_54 = tpu.memref_slice %arg8[%add3A_53, %dma_wait3A] : memref<32x128xi32, #tpu.memory_space<vmem>> -> memref<1x128xi32, #tpu.memory_space<vmem>>
        %dma_wait3A_55 = tpu.memref_squeeze %dma_wait3A_54 : memref<1x128xi32, #tpu.memory_space<vmem>> -> memref<128xi32, #tpu.memory_space<vmem>>
        %dma_wait3A_56 = arith.constant 0 : i32
        %dma_wait3A_57 = arith.constant 0 : i32
        %dma_wait3A_58 = tpu.memref_slice %arg2[%dma_wait3A_56, %dma_wait3A_57] : memref<10000x128xf32, #tpu.memory_space<hbm>> -> memref<10000x128xf32, #tpu.memory_space<hbm>>
        tpu.wait_indirect_dma semaphore(%arg12 : memref<!tpu.dma_semaphore, #tpu.memory_space<semaphore_mem>>) src(%dma_wait3A_58 : memref<10000x128xf32, #tpu.memory_space<hbm>>) dst(%arg10 : memref<128x128xf32, #tpu.memory_space<vmem>>)
        "tpu.region"() ({
          %run_scoped3A = tpu.sem_alloc : memref<!tpu.dma_semaphore, #tpu.memory_space<semaphore_mem>>
          %dma_start3A_81 = arith.constant 0 : i32
          %dma_start3A_82 = tpu.memref_slice %arg9[%add3A_53, %dma_start3A_81] : memref<32x128xi32, #tpu.memory_space<vmem>> -> memref<1x128xi32, #tpu.memory_space<vmem>>
          %dma_start3A_83 = tpu.memref_squeeze %dma_start3A_82 : memref<1x128xi32, #tpu.memory_space<vmem>> -> memref<128xi32, #tpu.memory_space<vmem>>
          %dma_start3A_84 = arith.constant 0 : i32
          %dma_start3A_85 = arith.constant 0 : i32
          %dma_start3A_86 = tpu.memref_slice %arg7[%dma_start3A_84, %dma_start3A_85] : memref<10240x128xf32, #tpu.memory_space<vmem_shared>> -> memref<10240x128xf32, #tpu.memory_space<vmem_shared>>
          tpu.enqueue_indirect_dma source(%arg10 : memref<128x128xf32, #tpu.memory_space<vmem>>) target(%dma_start3A_86 : memref<10240x128xf32, #tpu.memory_space<vmem_shared>>) offsets(%dma_start3A_83 : memref<128xi32, #tpu.memory_space<vmem>>) semaphore(%run_scoped3A : memref<!tpu.dma_semaphore, #tpu.memory_space<semaphore_mem>>) {add = true}
          %dma_wait3A_87 = arith.constant 0 : i32
          %dma_wait3A_88 = tpu.memref_slice %arg9[%add3A_53, %dma_wait3A_87] : memref<32x128xi32, #tpu.memory_space<vmem>> -> memref<1x128xi32, #tpu.memory_space<vmem>>
          %dma_wait3A_89 = tpu.memref_squeeze %dma_wait3A_88 : memref<1x128xi32, #tpu.memory_space<vmem>> -> memref<128xi32, #tpu.memory_space<vmem>>
          %dma_wait3A_90 = arith.constant 0 : i32
          %dma_wait3A_91 = arith.constant 0 : i32
          %dma_wait3A_92 = tpu.memref_slice %arg7[%dma_wait3A_90, %dma_wait3A_91] : memref<10240x128xf32, #tpu.memory_space<vmem_shared>> -> memref<10240x128xf32, #tpu.memory_space<vmem_shared>>
          tpu.wait_indirect_dma semaphore(%run_scoped3A : memref<!tpu.dma_semaphore, #tpu.memory_space<semaphore_mem>>) src(%arg10 : memref<128x128xf32, #tpu.memory_space<vmem>>) dst(%dma_wait3A_92 : memref<10240x128xf32, #tpu.memory_space<vmem_shared>>)
          tpu.yield
        }) : () -> ()
        %add3A_59 = arith.constant 2 : i32
        %add3A_60 = arith.addi %add3A_53, %add3A_59 : i32
        %lt3A = arith.constant 32 : i32
        %lt3A_61 = arith.cmpi slt, %add3A_60, %lt3A : i32
        %convert_element_type3A = arith.extui %lt3A_61 : i1 to i32
        %cond3A = arith.constant 0 : i32
        %cond3A_62 = arith.cmpi ne, %convert_element_type3A, %cond3A : i32
        scf.if %cond3A_62 {
          %dma_start3A_81 = arith.constant 0 : i32
          %dma_start3A_82 = tpu.memref_slice %arg8[%add3A_60, %dma_start3A_81] : memref<32x128xi32, #tpu.memory_space<vmem>> -> memref<1x128xi32, #tpu.memory_space<vmem>>
          %dma_start3A_83 = tpu.memref_squeeze %dma_start3A_82 : memref<1x128xi32, #tpu.memory_space<vmem>> -> memref<128xi32, #tpu.memory_space<vmem>>
          %dma_start3A_84 = arith.constant 0 : i32
          %dma_start3A_85 = arith.constant 0 : i32
          %dma_start3A_86 = tpu.memref_slice %arg2[%dma_start3A_84, %dma_start3A_85] : memref<10000x128xf32, #tpu.memory_space<hbm>> -> memref<10000x128xf32, #tpu.memory_space<hbm>>
          tpu.enqueue_indirect_dma source(%dma_start3A_86 : memref<10000x128xf32, #tpu.memory_space<hbm>>) target(%arg10 : memref<128x128xf32, #tpu.memory_space<vmem>>) offsets(%dma_start3A_83 : memref<128xi32, #tpu.memory_space<vmem>>) semaphore(%arg12 : memref<!tpu.dma_semaphore, #tpu.memory_space<semaphore_mem>>)
        } else {
        }
        %mul3A_63 = arith.constant 2 : i32
        %mul3A_64 = arith.muli %scan3A_48, %mul3A_63 : i32
        %add3A_65 = arith.constant 1 : i32
        %add3A_66 = arith.addi %mul3A_64, %add3A_65 : i32
        %dma_wait3A_67 = arith.constant 0 : i32
        %dma_wait3A_68 = tpu.memref_slice %arg8[%add3A_66, %dma_wait3A_67] : memref<32x128xi32, #tpu.memory_space<vmem>> -> memref<1x128xi32, #tpu.memory_space<vmem>>
        %dma_wait3A_69 = tpu.memref_squeeze %dma_wait3A_68 : memref<1x128xi32, #tpu.memory_space<vmem>> -> memref<128xi32, #tpu.memory_space<vmem>>
        %dma_wait3A_70 = arith.constant 0 : i32
        %dma_wait3A_71 = arith.constant 0 : i32
        %dma_wait3A_72 = tpu.memref_slice %arg2[%dma_wait3A_70, %dma_wait3A_71] : memref<10000x128xf32, #tpu.memory_space<hbm>> -> memref<10000x128xf32, #tpu.memory_space<hbm>>
        tpu.wait_indirect_dma semaphore(%arg13 : memref<!tpu.dma_semaphore, #tpu.memory_space<semaphore_mem>>) src(%dma_wait3A_72 : memref<10000x128xf32, #tpu.memory_space<hbm>>) dst(%arg11 : memref<128x128xf32, #tpu.memory_space<vmem>>)
        "tpu.region"() ({
          %run_scoped3A = tpu.sem_alloc : memref<!tpu.dma_semaphore, #tpu.memory_space<semaphore_mem>>
          %dma_start3A_81 = arith.constant 0 : i32
          %dma_start3A_82 = tpu.memref_slice %arg9[%add3A_66, %dma_start3A_81] : memref<32x128xi32, #tpu.memory_space<vmem>> -> memref<1x128xi32, #tpu.memory_space<vmem>>
          %dma_start3A_83 = tpu.memref_squeeze %dma_start3A_82 : memref<1x128xi32, #tpu.memory_space<vmem>> -> memref<128xi32, #tpu.memory_space<vmem>>
          %dma_start3A_84 = arith.constant 0 : i32
          %dma_start3A_85 = arith.constant 0 : i32
          %dma_start3A_86 = tpu.memref_slice %arg7[%dma_start3A_84, %dma_start3A_85] : memref<10240x128xf32, #tpu.memory_space<vmem_shared>> -> memref<10240x128xf32, #tpu.memory_space<vmem_shared>>
          tpu.enqueue_indirect_dma source(%arg11 : memref<128x128xf32, #tpu.memory_space<vmem>>) target(%dma_start3A_86 : memref<10240x128xf32, #tpu.memory_space<vmem_shared>>) offsets(%dma_start3A_83 : memref<128xi32, #tpu.memory_space<vmem>>) semaphore(%run_scoped3A : memref<!tpu.dma_semaphore, #tpu.memory_space<semaphore_mem>>) {add = true}
          %dma_wait3A_87 = arith.constant 0 : i32
          %dma_wait3A_88 = tpu.memref_slice %arg9[%add3A_66, %dma_wait3A_87] : memref<32x128xi32, #tpu.memory_space<vmem>> -> memref<1x128xi32, #tpu.memory_space<vmem>>
          %dma_wait3A_89 = tpu.memref_squeeze %dma_wait3A_88 : memref<1x128xi32, #tpu.memory_space<vmem>> -> memref<128xi32, #tpu.memory_space<vmem>>
          %dma_wait3A_90 = arith.constant 0 : i32
          %dma_wait3A_91 = arith.constant 0 : i32
          %dma_wait3A_92 = tpu.memref_slice %arg7[%dma_wait3A_90, %dma_wait3A_91] : memref<10240x128xf32, #tpu.memory_space<vmem_shared>> -> memref<10240x128xf32, #tpu.memory_space<vmem_shared>>
          tpu.wait_indirect_dma semaphore(%run_scoped3A : memref<!tpu.dma_semaphore, #tpu.memory_space<semaphore_mem>>) src(%arg11 : memref<128x128xf32, #tpu.memory_space<vmem>>) dst(%dma_wait3A_92 : memref<10240x128xf32, #tpu.memory_space<vmem_shared>>)
          tpu.yield
        }) : () -> ()
        %add3A_73 = arith.constant 2 : i32
        %add3A_74 = arith.addi %add3A_66, %add3A_73 : i32
        %lt3A_75 = arith.constant 32 : i32
        %lt3A_76 = arith.cmpi slt, %add3A_74, %lt3A_75 : i32
        %convert_element_type3A_77 = arith.extui %lt3A_76 : i1 to i32
        %cond3A_78 = arith.constant 0 : i32
        %cond3A_79 = arith.cmpi ne, %convert_element_type3A_77, %cond3A_78 : i32
        scf.if %cond3A_79 {
          %dma_start3A_81 = arith.constant 0 : i32
          %dma_start3A_82 = tpu.memref_slice %arg8[%add3A_74, %dma_start3A_81] : memref<32x128xi32, #tpu.memory_space<vmem>> -> memref<1x128xi32, #tpu.memory_space<vmem>>
          %dma_start3A_83 = tpu.memref_squeeze %dma_start3A_82 : memref<1x128xi32, #tpu.memory_space<vmem>> -> memref<128xi32, #tpu.memory_space<vmem>>
          %dma_start3A_84 = arith.constant 0 : i32
          %dma_start3A_85 = arith.constant 0 : i32
          %dma_start3A_86 = tpu.memref_slice %arg2[%dma_start3A_84, %dma_start3A_85] : memref<10000x128xf32, #tpu.memory_space<hbm>> -> memref<10000x128xf32, #tpu.memory_space<hbm>>
          tpu.enqueue_indirect_dma source(%dma_start3A_86 : memref<10000x128xf32, #tpu.memory_space<hbm>>) target(%arg11 : memref<128x128xf32, #tpu.memory_space<vmem>>) offsets(%dma_start3A_83 : memref<128xi32, #tpu.memory_space<vmem>>) semaphore(%arg13 : memref<!tpu.dma_semaphore, #tpu.memory_space<semaphore_mem>>)
        } else {
        }
        %scan3A_80 = arith.constant 0 : i32
        scf.yield %scan3A_80 : i32
      }
      %scan3A_46 = arith.constant 16 : i32
      %while3A_47 = arith.constant 0 : i32
      scf.yield %while3A_47 : i32
    }
    %barrier3A_22 = arith.constant 0 : index
    tpu.barrier barrier_id(%barrier3A_22)
    "tpu.region"() ({
      %run_scoped3A = tpu.sem_alloc : memref<!tpu.dma_semaphore, #tpu.memory_space<semaphore_mem>>
      %dma_start3A = arith.constant 0 : i32
      %dma_start3A_23 = tpu.memref_slice %arg6[%arg0, %mul3A_0, %dma_start3A] : memref<2x10240x128xf32, #tpu.memory_space<hbm>> -> memref<1x640x128xf32, #tpu.memory_space<hbm>>
      %dma_start3A_24 = tpu.memref_squeeze %dma_start3A_23 : memref<1x640x128xf32, #tpu.memory_space<hbm>> -> memref<640x128xf32, #tpu.memory_space<hbm>>
      %dma_start3A_25 = arith.constant 0 : i32
      %dma_start3A_26 = tpu.memref_slice %arg7[%mul3A_0, %dma_start3A_25] : memref<10240x128xf32, #tpu.memory_space<vmem_shared>> -> memref<640x128xf32, #tpu.memory_space<vmem_shared>>
      tpu.enqueue_dma source(%dma_start3A_26 : memref<640x128xf32, #tpu.memory_space<vmem_shared>>) target(%dma_start3A_24 : memref<640x128xf32, #tpu.memory_space<hbm>>) target_semaphore(%run_scoped3A : memref<!tpu.dma_semaphore, #tpu.memory_space<semaphore_mem>>)
      %dma_wait3A = arith.constant 0 : i32
      %dma_wait3A_27 = tpu.memref_slice %arg6[%arg0, %mul3A_0, %dma_wait3A] : memref<2x10240x128xf32, #tpu.memory_space<hbm>> -> memref<1x640x128xf32, #tpu.memory_space<hbm>>
      %dma_wait3A_28 = tpu.memref_squeeze %dma_wait3A_27 : memref<1x640x128xf32, #tpu.memory_space<hbm>> -> memref<640x128xf32, #tpu.memory_space<hbm>>
      %dma_wait3A_29 = arith.constant 0 : i32
      %dma_wait3A_30 = tpu.memref_slice %arg7[%mul3A_0, %dma_wait3A_29] : memref<10240x128xf32, #tpu.memory_space<vmem_shared>> -> memref<640x128xf32, #tpu.memory_space<vmem_shared>>
      tpu.wait_dma2 semaphore(%run_scoped3A : memref<!tpu.dma_semaphore, #tpu.memory_space<semaphore_mem>>) src(%dma_wait3A_30 : memref<640x128xf32, #tpu.memory_space<vmem_shared>>) dst(%dma_wait3A_28 : memref<640x128xf32, #tpu.memory_space<hbm>>)
      tpu.yield
    }) : () -> ()
    return
  }
}

module attributes {stable_mosaic.version = 14 : i64} {
  func.func @_tc_pre_body(%arg0: i32, %arg1: memref<1000x128xf32, #tpu.memory_space<vmem>>, %arg2: memref<128x128xf32, #tpu.memory_space<vmem>>, %arg3: memref<128x128xf32, #tpu.memory_space<vmem>>, %arg4: memref<8x128xf32, #tpu.memory_space<vmem>>, %arg5: memref<1000x128xf32, #tpu.memory_space<vmem>>, %arg6: memref<1000x128xf32, #tpu.memory_space<vmem>>) attributes {dimension_semantics = [#tpu.dimension_semantics<arbitrary>], iteration_bounds = array<i64: 10>, scalar_prefetch = 0 : i64, scratch_operands = 0 : i64, tpu.core_type = #tpu.core_type<tc>, window_params = [{transform_indices = @transform_0, window_bounds = array<i64: 1000, 128>}, {pipeline_mode = #tpu.pipeline_mode<synchronous>, transform_indices = @transform_1, window_bounds = array<i64: 128, 128>}, {pipeline_mode = #tpu.pipeline_mode<synchronous>, transform_indices = @transform_2, window_bounds = array<i64: 128, 128>}, {pipeline_mode = #tpu.pipeline_mode<synchronous>, transform_indices = @transform_3, window_bounds = array<i64: 8, 128>}, {transform_indices = @transform_4, window_bounds = array<i64: 1000, 128>}, {transform_indices = @transform_5, window_bounds = array<i64: 1000, 128>}]} {
    %get3A = arith.constant 0 : index
    %get3A_0 = arith.constant 0 : index
    %get3A_1 = vector.load %arg1[%get3A, %get3A_0] : memref<1000x128xf32, #tpu.memory_space<vmem>>, vector<1000x128xf32>
    %get3A_2 = arith.constant 0 : index
    %get3A_3 = arith.constant 0 : index
    %get3A_4 = vector.load %arg2[%get3A_2, %get3A_3] : memref<128x128xf32, #tpu.memory_space<vmem>>, vector<128x128xf32>
    %dot_general3A = arith.constant dense<0.000000e+00> : vector<1000x128xf32>
    %dot_general3A_5 = tpu.matmul %get3A_1, %get3A_4, %dot_general3A {dimension_numbers = #tpu.dot_dimension_numbers<[1], [0], [0], [1], [0, 0, 1, 1], [], []>, transpose_lhs_hint = false} : vector<1000x128xf32>, vector<128x128xf32>, vector<1000x128xf32> -> vector<1000x128xf32>
    %get3A_6 = arith.constant 0 : index
    %get3A_7 = arith.constant 0 : index
    %get3A_8 = vector.load %arg4[%get3A_6, %get3A_7] : memref<8x128xf32, #tpu.memory_space<vmem>>, vector<1x128xf32>
    %add3A = vector.broadcast %get3A_8 : vector<1x128xf32> to vector<1000x128xf32>
    %add3A_9 = arith.addf %dot_general3A_5, %add3A : vector<1000x128xf32>
    %swap3A = arith.constant 0 : index
    %swap3A_10 = arith.constant 0 : index
    %swap3A_11 = vector.load %arg5[%swap3A, %swap3A_10] : memref<1000x128xf32, #tpu.memory_space<vmem>>, vector<1000x128xf32>
    tpu.vector_store %arg5[%swap3A, %swap3A_10], %add3A_9 {strides = array<i32>} : memref<1000x128xf32, #tpu.memory_space<vmem>>, vector<1000x128xf32>,
    %get3A_12 = arith.constant 0 : index
    %get3A_13 = arith.constant 0 : index
    %get3A_14 = vector.load %arg3[%get3A_12, %get3A_13] : memref<128x128xf32, #tpu.memory_space<vmem>>, vector<128x128xf32>
    %dot_general3A_15 = arith.constant dense<0.000000e+00> : vector<1000x128xf32>
    %dot_general3A_16 = tpu.matmul %get3A_1, %get3A_14, %dot_general3A_15 {dimension_numbers = #tpu.dot_dimension_numbers<[1], [0], [0], [1], [0, 0, 1, 1], [], []>, transpose_lhs_hint = false} : vector<1000x128xf32>, vector<128x128xf32>, vector<1000x128xf32> -> vector<1000x128xf32>
    %swap3A_17 = arith.constant 0 : index
    %swap3A_18 = arith.constant 0 : index
    %swap3A_19 = vector.load %arg6[%swap3A_17, %swap3A_18] : memref<1000x128xf32, #tpu.memory_space<vmem>>, vector<1000x128xf32>
    tpu.vector_store %arg6[%swap3A_17, %swap3A_18], %dot_general3A_16 {strides = array<i32>} : memref<1000x128xf32, #tpu.memory_space<vmem>>, vector<1000x128xf32>,
    return
  }
  func.func @transform_0(%arg0: i32) -> (i32, i32) {
    %c0_i32 = arith.constant 0 : i32
    %c0_i32_0 = arith.constant 0 : i32
    return %arg0, %c0_i32 : i32, i32
  }
  func.func @transform_1(%arg0: i32) -> (i32, i32) {
    %c0_i32 = arith.constant 0 : i32
    %c0_i32_0 = arith.constant 0 : i32
    %c0_i32_1 = arith.constant 0 : i32
    return %c0_i32, %c0_i32_0 : i32, i32
  }
  func.func @transform_2(%arg0: i32) -> (i32, i32) {
    %c0_i32 = arith.constant 0 : i32
    %c0_i32_0 = arith.constant 0 : i32
    %c0_i32_1 = arith.constant 0 : i32
    return %c0_i32, %c0_i32_0 : i32, i32
  }
  func.func @transform_3(%arg0: i32) -> (i32, i32) {
    %c0_i32 = arith.constant 0 : i32
    %c0_i32_0 = arith.constant 0 : i32
    %c0_i32_1 = arith.constant 0 : i32
    return %c0_i32, %c0_i32_0 : i32, i32
  }
  func.func @transform_4(%arg0: i32) -> (i32, i32) {
    %c0_i32 = arith.constant 0 : i32
    %c0_i32_0 = arith.constant 0 : i32
    return %arg0, %c0_i32 : i32, i32
  }
  func.func @transform_5(%arg0: i32) -> (i32, i32) {
    %c0_i32 = arith.constant 0 : i32
    %c0_i32_0 = arith.constant 0 : i32
    return %arg0, %c0_i32 : i32, i32
  }
}

module attributes {stable_mosaic.version = 14 : i64} {
  func.func @_tc_mid_body(%arg0: i32, %arg1: memref<1000x128xf32, #tpu.memory_space<vmem>>, %arg2: memref<2x1000x128xf32, #tpu.memory_space<vmem>>, %arg3: memref<2x1000x128xf32, #tpu.memory_space<vmem>>, %arg4: memref<128x128xf32, #tpu.memory_space<vmem>>, %arg5: memref<128x128xf32, #tpu.memory_space<vmem>>, %arg6: memref<8x128xf32, #tpu.memory_space<vmem>>, %arg7: memref<1000x128xf32, #tpu.memory_space<vmem>>, %arg8: memref<1000x128xf32, #tpu.memory_space<vmem>>) attributes {dimension_semantics = [#tpu.dimension_semantics<arbitrary>], iteration_bounds = array<i64: 10>, scalar_prefetch = 0 : i64, scratch_operands = 0 : i64, tpu.core_type = #tpu.core_type<tc>, window_params = [{transform_indices = @transform_0, window_bounds = array<i64: 1000, 128>}, {transform_indices = @transform_1, window_bounds = array<i64: 2, 1000, 128>}, {transform_indices = @transform_2, window_bounds = array<i64: 2, 1000, 128>}, {pipeline_mode = #tpu.pipeline_mode<synchronous>, transform_indices = @transform_3, window_bounds = array<i64: 128, 128>}, {pipeline_mode = #tpu.pipeline_mode<synchronous>, transform_indices = @transform_4, window_bounds = array<i64: 128, 128>}, {pipeline_mode = #tpu.pipeline_mode<synchronous>, transform_indices = @transform_5, window_bounds = array<i64: 8, 128>}, {transform_indices = @transform_6, window_bounds = array<i64: 1000, 128>}, {transform_indices = @transform_7, window_bounds = array<i64: 1000, 128>}]} {
    %get3A = arith.constant 0 : index
    %get3A_0 = arith.constant 0 : index
    %get3A_1 = arith.constant 0 : index
    %get3A_2 = vector.load %arg3[%get3A, %get3A_0, %get3A_1] : memref<2x1000x128xf32, #tpu.memory_space<vmem>>, vector<1x1000x1xf32>
    %get3A_3 = vector.shape_cast %get3A_2 : vector<1x1000x1xf32> to vector<1000x1xf32>
    %get3A_4 = arith.constant 1 : index
    %get3A_5 = arith.constant 0 : index
    %get3A_6 = arith.constant 0 : index
    %get3A_7 = vector.load %arg3[%get3A_4, %get3A_5, %get3A_6] : memref<2x1000x128xf32, #tpu.memory_space<vmem>>, vector<1x1000x1xf32>
    %get3A_8 = vector.shape_cast %get3A_7 : vector<1x1000x1xf32> to vector<1000x1xf32>
    %add3A = arith.addf %get3A_3, %get3A_8 : vector<1000x1xf32>
    %max3A = arith.constant 1.000000e+00 : f32
    %max3A_9 = vector.broadcast %max3A : f32 to vector<1000x1xf32>
    %max3A_10 = arith.maximumf %add3A, %max3A_9 : vector<1000x1xf32>
    %div3A = arith.constant 1.000000e+00 : f32
    %div3A_11 = vector.broadcast %div3A : f32 to vector<1000x1xf32>
    %div3A_12 = arith.divf %div3A_11, %max3A_10 : vector<1000x1xf32>
    %get3A_13 = arith.constant 0 : index
    %get3A_14 = arith.constant 0 : index
    %get3A_15 = vector.load %arg1[%get3A_13, %get3A_14] : memref<1000x128xf32, #tpu.memory_space<vmem>>, vector<1000x128xf32>
    %get3A_16 = arith.constant 0 : index
    %get3A_17 = arith.constant 0 : index
    %get3A_18 = arith.constant 0 : index
    %get3A_19 = vector.load %arg2[%get3A_16, %get3A_17, %get3A_18] : memref<2x1000x128xf32, #tpu.memory_space<vmem>>, vector<1x1000x128xf32>
    %get3A_20 = vector.shape_cast %get3A_19 : vector<1x1000x128xf32> to vector<1000x128xf32>
    %get3A_21 = arith.constant 1 : index
    %get3A_22 = arith.constant 0 : index
    %get3A_23 = arith.constant 0 : index
    %get3A_24 = vector.load %arg2[%get3A_21, %get3A_22, %get3A_23] : memref<2x1000x128xf32, #tpu.memory_space<vmem>>, vector<1x1000x128xf32>
    %get3A_25 = vector.shape_cast %get3A_24 : vector<1x1000x128xf32> to vector<1000x128xf32>
    %add3A_26 = arith.addf %get3A_20, %get3A_25 : vector<1000x128xf32>
    %mul3A = vector.broadcast %div3A_12 : vector<1000x1xf32> to vector<1000x128xf32>
    %mul3A_27 = arith.mulf %add3A_26, %mul3A : vector<1000x128xf32>
    %add3A_28 = arith.addf %get3A_15, %mul3A_27 : vector<1000x128xf32>
    %max3A_29 = arith.constant 0.000000e+00 : f32
    %max3A_30 = vector.broadcast %max3A_29 : f32 to vector<1000x128xf32>
    %max3A_31 = arith.maximumf %add3A_28, %max3A_30 : vector<1000x128xf32>
    %get3A_32 = arith.constant 0 : index
    %get3A_33 = arith.constant 0 : index
    %get3A_34 = vector.load %arg4[%get3A_32, %get3A_33] : memref<128x128xf32, #tpu.memory_space<vmem>>, vector<128x128xf32>
    %dot_general3A = arith.constant dense<0.000000e+00> : vector<1000x128xf32>
    %dot_general3A_35 = tpu.matmul %max3A_31, %get3A_34, %dot_general3A {dimension_numbers = #tpu.dot_dimension_numbers<[1], [0], [0], [1], [0, 0, 1, 1], [], []>, transpose_lhs_hint = false} : vector<1000x128xf32>, vector<128x128xf32>, vector<1000x128xf32> -> vector<1000x128xf32>
    %get3A_36 = arith.constant 0 : index
    %get3A_37 = arith.constant 0 : index
    %get3A_38 = vector.load %arg6[%get3A_36, %get3A_37] : memref<8x128xf32, #tpu.memory_space<vmem>>, vector<1x128xf32>
    %add3A_39 = vector.broadcast %get3A_38 : vector<1x128xf32> to vector<1000x128xf32>
    %add3A_40 = arith.addf %dot_general3A_35, %add3A_39 : vector<1000x128xf32>
    %swap3A = arith.constant 0 : index
    %swap3A_41 = arith.constant 0 : index
    %swap3A_42 = vector.load %arg7[%swap3A, %swap3A_41] : memref<1000x128xf32, #tpu.memory_space<vmem>>, vector<1000x128xf32>
    tpu.vector_store %arg7[%swap3A, %swap3A_41], %add3A_40 {strides = array<i32>} : memref<1000x128xf32, #tpu.memory_space<vmem>>, vector<1000x128xf32>,
    %get3A_43 = arith.constant 0 : index
    %get3A_44 = arith.constant 0 : index
    %get3A_45 = vector.load %arg5[%get3A_43, %get3A_44] : memref<128x128xf32, #tpu.memory_space<vmem>>, vector<128x128xf32>
    %dot_general3A_46 = arith.constant dense<0.000000e+00> : vector<1000x128xf32>
    %dot_general3A_47 = tpu.matmul %max3A_31, %get3A_45, %dot_general3A_46 {dimension_numbers = #tpu.dot_dimension_numbers<[1], [0], [0], [1], [0, 0, 1, 1], [], []>, transpose_lhs_hint = false} : vector<1000x128xf32>, vector<128x128xf32>, vector<1000x128xf32> -> vector<1000x128xf32>
    %swap3A_48 = arith.constant 0 : index
    %swap3A_49 = arith.constant 0 : index
    %swap3A_50 = vector.load %arg8[%swap3A_48, %swap3A_49] : memref<1000x128xf32, #tpu.memory_space<vmem>>, vector<1000x128xf32>
    tpu.vector_store %arg8[%swap3A_48, %swap3A_49], %dot_general3A_47 {strides = array<i32>} : memref<1000x128xf32, #tpu.memory_space<vmem>>, vector<1000x128xf32>,
    return
  }
  func.func @transform_0(%arg0: i32) -> (i32, i32) {
    %c0_i32 = arith.constant 0 : i32
    %c0_i32_0 = arith.constant 0 : i32
    return %arg0, %c0_i32 : i32, i32
  }
  func.func @transform_1(%arg0: i32) -> (i32, i32, i32) {
    %c0_i32 = arith.constant 0 : i32
    %c0_i32_0 = arith.constant 0 : i32
    %c0_i32_1 = arith.constant 0 : i32
    return %c0_i32, %arg0, %c0_i32_0 : i32, i32, i32
  }
  func.func @transform_2(%arg0: i32) -> (i32, i32, i32) {
    %c0_i32 = arith.constant 0 : i32
    %c0_i32_0 = arith.constant 0 : i32
    %c0_i32_1 = arith.constant 0 : i32
    return %c0_i32, %arg0, %c0_i32_0 : i32, i32, i32
  }
  func.func @transform_3(%arg0: i32) -> (i32, i32) {
    %c0_i32 = arith.constant 0 : i32
    %c0_i32_0 = arith.constant 0 : i32
    %c0_i32_1 = arith.constant 0 : i32
    return %c0_i32, %c0_i32_0 : i32, i32
  }
  func.func @transform_4(%arg0: i32) -> (i32, i32) {
    %c0_i32 = arith.constant 0 : i32
    %c0_i32_0 = arith.constant 0 : i32
    %c0_i32_1 = arith.constant 0 : i32
    return %c0_i32, %c0_i32_0 : i32, i32
  }
  func.func @transform_5(%arg0: i32) -> (i32, i32) {
    %c0_i32 = arith.constant 0 : i32
    %c0_i32_0 = arith.constant 0 : i32
    %c0_i32_1 = arith.constant 0 : i32
    return %c0_i32, %c0_i32_0 : i32, i32
  }
  func.func @transform_6(%arg0: i32) -> (i32, i32) {
    %c0_i32 = arith.constant 0 : i32
    %c0_i32_0 = arith.constant 0 : i32
    return %arg0, %c0_i32 : i32, i32
  }
  func.func @transform_7(%arg0: i32) -> (i32, i32) {
    %c0_i32 = arith.constant 0 : i32
    %c0_i32_0 = arith.constant 0 : i32
    return %arg0, %c0_i32 : i32, i32
  }
}

module attributes {stable_mosaic.version = 14 : i64} {
  func.func @_tc_post_body(%arg0: i32, %arg1: memref<1000x128xf32, #tpu.memory_space<vmem>>, %arg2: memref<2x1000x128xf32, #tpu.memory_space<vmem>>, %arg3: memref<2x1000x128xf32, #tpu.memory_space<vmem>>, %arg4: memref<1000x128xf32, #tpu.memory_space<vmem>>) attributes {dimension_semantics = [#tpu.dimension_semantics<arbitrary>], iteration_bounds = array<i64: 10>, scalar_prefetch = 0 : i64, scratch_operands = 0 : i64, tpu.core_type = #tpu.core_type<tc>, window_params = [{transform_indices = @transform_0, window_bounds = array<i64: 1000, 128>}, {transform_indices = @transform_1, window_bounds = array<i64: 2, 1000, 128>}, {transform_indices = @transform_2, window_bounds = array<i64: 2, 1000, 128>}, {transform_indices = @transform_3, window_bounds = array<i64: 1000, 128>}]} {
    %get3A = arith.constant 0 : index
    %get3A_0 = arith.constant 0 : index
    %get3A_1 = arith.constant 0 : index
    %get3A_2 = vector.load %arg3[%get3A, %get3A_0, %get3A_1] : memref<2x1000x128xf32, #tpu.memory_space<vmem>>, vector<1x1000x1xf32>
    %get3A_3 = vector.shape_cast %get3A_2 : vector<1x1000x1xf32> to vector<1000x1xf32>
    %get3A_4 = arith.constant 1 : index
    %get3A_5 = arith.constant 0 : index
    %get3A_6 = arith.constant 0 : index
    %get3A_7 = vector.load %arg3[%get3A_4, %get3A_5, %get3A_6] : memref<2x1000x128xf32, #tpu.memory_space<vmem>>, vector<1x1000x1xf32>
    %get3A_8 = vector.shape_cast %get3A_7 : vector<1x1000x1xf32> to vector<1000x1xf32>
    %add3A = arith.addf %get3A_3, %get3A_8 : vector<1000x1xf32>
    %max3A = arith.constant 1.000000e+00 : f32
    %max3A_9 = vector.broadcast %max3A : f32 to vector<1000x1xf32>
    %max3A_10 = arith.maximumf %add3A, %max3A_9 : vector<1000x1xf32>
    %div3A = arith.constant 1.000000e+00 : f32
    %div3A_11 = vector.broadcast %div3A : f32 to vector<1000x1xf32>
    %div3A_12 = arith.divf %div3A_11, %max3A_10 : vector<1000x1xf32>
    %get3A_13 = arith.constant 0 : index
    %get3A_14 = arith.constant 0 : index
    %get3A_15 = vector.load %arg1[%get3A_13, %get3A_14] : memref<1000x128xf32, #tpu.memory_space<vmem>>, vector<1000x128xf32>
    %get3A_16 = arith.constant 0 : index
    %get3A_17 = arith.constant 0 : index
    %get3A_18 = arith.constant 0 : index
    %get3A_19 = vector.load %arg2[%get3A_16, %get3A_17, %get3A_18] : memref<2x1000x128xf32, #tpu.memory_space<vmem>>, vector<1x1000x128xf32>
    %get3A_20 = vector.shape_cast %get3A_19 : vector<1x1000x128xf32> to vector<1000x128xf32>
    %get3A_21 = arith.constant 1 : index
    %get3A_22 = arith.constant 0 : index
    %get3A_23 = arith.constant 0 : index
    %get3A_24 = vector.load %arg2[%get3A_21, %get3A_22, %get3A_23] : memref<2x1000x128xf32, #tpu.memory_space<vmem>>, vector<1x1000x128xf32>
    %get3A_25 = vector.shape_cast %get3A_24 : vector<1x1000x128xf32> to vector<1000x128xf32>
    %add3A_26 = arith.addf %get3A_20, %get3A_25 : vector<1000x128xf32>
    %mul3A = vector.broadcast %div3A_12 : vector<1000x1xf32> to vector<1000x128xf32>
    %mul3A_27 = arith.mulf %add3A_26, %mul3A : vector<1000x128xf32>
    %add3A_28 = arith.addf %get3A_15, %mul3A_27 : vector<1000x128xf32>
    %swap3A = arith.constant 0 : index
    %swap3A_29 = arith.constant 0 : index
    %swap3A_30 = vector.load %arg4[%swap3A, %swap3A_29] : memref<1000x128xf32, #tpu.memory_space<vmem>>, vector<1000x128xf32>
    tpu.vector_store %arg4[%swap3A, %swap3A_29], %add3A_28 {strides = array<i32>} : memref<1000x128xf32, #tpu.memory_space<vmem>>, vector<1000x128xf32>,
    return
  }
  func.func @transform_0(%arg0: i32) -> (i32, i32) {
    %c0_i32 = arith.constant 0 : i32
    %c0_i32_0 = arith.constant 0 : i32
    return %arg0, %c0_i32 : i32, i32
  }
  func.func @transform_1(%arg0: i32) -> (i32, i32, i32) {
    %c0_i32 = arith.constant 0 : i32
    %c0_i32_0 = arith.constant 0 : i32
    %c0_i32_1 = arith.constant 0 : i32
    return %c0_i32, %arg0, %c0_i32_0 : i32, i32, i32
  }
  func.func @transform_2(%arg0: i32) -> (i32, i32, i32) {
    %c0_i32 = arith.constant 0 : i32
    %c0_i32_0 = arith.constant 0 : i32
    %c0_i32_1 = arith.constant 0 : i32
    return %c0_i32, %arg0, %c0_i32_0 : i32, i32, i32
  }
  func.func @transform_3(%arg0: i32) -> (i32, i32) {
    %c0_i32 = arith.constant 0 : i32
    %c0_i32_0 = arith.constant 0 : i32
    return %arg0, %c0_i32 : i32, i32
  }
}

</mosaic_0001>

<sc_bundles>
// kernel: kernel.11.cloned.1.call-start
scs
__scs_entry_jumppad:
0x0: {  	(pc) =	sbr.rel $0x88, $3  }
0x1: {  	(tag) =	ssettag $0x0;
	lr =	simm.s32 $0x1  }
0x2: {  	[smem:$0x3F99] =	sst lr;
	_ =	strace $0xD0000000  }
0x3: {  	_ = 	snop  }
0x4: {  	_ = 	snop  }
0x5: {  	_ = 	snop  }
0x6: {  	_ = 	snop  }
0x7: {  	_ = 	snop  }
__scs_overlays_trampoline_lowered:
0x8: {  	[smem:$0x3FA8] =	sst s0  }
0x9: {  	[smem:$0x3FA9] =	sst s1  }
0xa: {  	[smem:$0x3FAA] =	sst s2  }
0xb: {  	[smem:$0x3FAB] =	sst s3  }
0xc: {  	[smem:$0x3FAC] =	sst s4  }
0xd: {  	[smem:$0x3FAD] =	sst s5  }
0xe: {  	[smem:$0x3FAE] =	sst s6  }
0xf: {  	[smem:$0x3FAF] =	sst s7  }
0x10: {  	[smem:$0x3FB0] =	sst s8  }
0x11: {  	[smem:$0x3FB1] =	sst s9;
	s0 =	simm.s32 @!p0 $0x0  }
0x12: {  	s1 =	sld [smem:$0x3F97];
	s0 =	simm.s32 @p0 $0x1  }
0x13: {  	[smem:$0x3FB2] =	sst s0;
	s0 =	simm.s32 @!p1 $0x0  }
0x14: {  	s2 =	sld [smem:$0x3F96];
	s0 =	simm.s32 @p1 $0x1  }
0x15: {  	[smem:$0x3FB3] =	sst s0;
	s0 =	simm.s32 @!p2 $0x0  }
0x16: {  	s3 =	sld [smem:$0x3FDB];
	s0 =	simm.s32 @p2 $0x1  }
0x17: {  	s4 =	simm.s32 $0x1BF5;
	[smem:$0x3FB5] =	sst s0  }
0x18: {  	s0 =	sld [smem:$0x3F98];
	_ =	swait.ge [sflag:s4], $0x0  }
0x19: {  	s7 =	sld [smem:$0x3F99]  }
0x1a: {  	s8 =	sadd.s32 $0xFFFFE003, lr  }
0x1b: {  	s9 =	sadd.s32 $0xFFFFFEF7, lr;
	s5 =	simm.s32 $0xFFFFFFFF;
	p2 =	slt.u32 s8, $0xFFFFF086  }
0x1c: {  	p1 =	slt.u32 s9, $0xF7A;
	s5 =	simm.s32 @!p2 $0x0  }
0x1d: {  	s5 =	simm.s32 @p1 $0x1;
	p0 =	seq.s32 s7, s2  }
0x1e: {  	s7 =	smul.u32 @!p0 $0xF7A, s2;
	p2 =	seq.s32 @!p0 s5, $0x0  }
0x1f: {  	s9 =	smul.u32 $0xF7A, s1;
	s8 =	simm.s32 @!p0 $0x1BF5;
	p2 =	por !p2, p0  }
0x20: {  	[sflag:s8] =	ssyncset.s32 @!p0 $0xFFFFF086;
	s6 =	sadd.s32 @!p0 s3, s7;
	s7 =	simm.s32 @!p0 $0x108  }
0x21: {  	s3 =	sadd.s32 s3, s9;
	s6 =	sadd.s32 @!p0 $0x88, s6;
	s7 =	simm.s32 @p2 $0x1082  }
0x22: {  	[simem:s7], [sflag:s8] =	dma.local @!p0 [hbm:s6], $0xF7A  }
0x23: {  	s9 =	sor.u32 $0xD0000000, s2;
	s6 =	simm.s32 $0x108;
	_ =	swait.ge @!p0 [sflag:s8], $0x0  }
0x24: {  	s3 =	sadd.s32 $0x88, s3;
	s6 =	simm.s32 @!p1 $0x1082;
	[sflag:s4] =	ssyncset.s32 $0xFFFFF086  }
0x25: {  	[simem:s6], [sflag:s4] =	dma.local [hbm:s3], $0xF7A  }
0x26: {  	[smem:$0x3F99] =	sst s1;
	(tag) =	ssettag s2;
	_ =	strace s9  }
0x27: {  	s1 =	sld [smem:$0x3FA9]  }
0x28: {  	s2 =	sld [smem:$0x3FAA]  }
0x29: {  	s4 =	sld [smem:$0x3FAC]  }
0x2a: {  	p0 =	seq.s32 s5, $0x0;
	s5 =	sld [smem:$0x3FAD]  }
0x2b: {  	s6 =	sld [smem:$0x3FAE]  }
0x2c: {  	s7 =	sld [smem:$0x3FAF]  }
0x2d: {  	s3 =	simm.s32 $0x108;
	s8 =	sld [smem:$0x3FB0]  }
0x2e: {  	s3 =	simm.s32 @!p0 $0x1082;
	s9 =	sld [smem:$0x3FB1]  }
0x2f: {  	lr =	sadd.s32 s0, s3;
	s0 =	sld [smem:$0x3FA8]  }
0x30: {  	s3 =	sld [smem:$0x3FAB]  }
0x31: {  	[smem:$0x3FB4] =	sst s10  }
0x32: {  	s10 =	sld [smem:$0x3FB2];
	_ =	sdelay $0x3  }
0x33: {  	p0 =	seq.s32 s10, $0x1;
	s10 =	sld [smem:$0x3FB4];
	_ =	sdelay $0x3  }
0x34: {  	[smem:$0x3FB4] =	sst s10  }
0x35: {  	s10 =	sld [smem:$0x3FB3];
	_ =	sdelay $0x3  }
0x36: {  	p1 =	seq.s32 s10, $0x1;
	s10 =	sld [smem:$0x3FB4];
	_ =	sdelay $0x3  }
0x37: {  	[smem:$0x3FB4] =	sst s10  }
0x38: {  	s10 =	sld [smem:$0x3FB5]  }
0x39: {  	_ = 	snop;
	(pc) =	sbr.ind lr, $3  }
0x3a: {  	_ = 	snop  }
0x3b: {  	_ = 	snop  }
0x3c: {  	p2 =	seq.s32 s10, $0x1;
	s10 =	sld [smem:$0x3FB4]  }
0x3d: {  	_ =	shalt  }
0x3e: {  	_ =	shalt  }
0x3f: {  	_ =	shalt  }
0x40: {  	_ =	shalt  }
0x41: {  	_ =	shalt  }
0x42: {  	_ =	shalt  }
0x43: {  	_ =	shalt  }
0x44: {  	_ =	shalt  }
0x45: {  	_ =	shalt  }
0x46: {  	_ =	shalt  }
0x47: {  	_ =	shalt  }
0x48: {  	_ =	shalt  }
0x49: {  	_ =	shalt  }
0x4a: {  	_ =	shalt  }
0x4b: {  	_ =	shalt  }
0x4c: {  	_ =	shalt  }
0x4d: {  	_ =	shalt  }
0x4e: {  	_ =	shalt  }
0x4f: {  	_ =	shalt  }
0x50: {  	_ =	shalt  }
0x51: {  	_ =	shalt  }
0x52: {  	_ =	shalt  }
0x53: {  	_ =	shalt  }
0x54: {  	_ =	shalt  }
0x55: {  	_ =	shalt  }
0x56: {  	_ =	shalt  }
0x57: {  	_ =	shalt  }
0x58: {  	_ =	shalt  }
0x59: {  	_ =	shalt  }
0x5a: {  	_ =	shalt  }
0x5b: {  	_ =	shalt  }
0x5c: {  	_ =	shalt  }
0x5d: {  	_ =	shalt  }
0x5e: {  	_ =	shalt  }
0x5f: {  	_ =	shalt  }
0x60: {  	_ =	shalt  }
0x61: {  	_ =	shalt  }
0x62: {  	_ =	shalt  }
0x63: {  	_ =	shalt  }
0x64: {  	_ =	shalt  }
0x65: {  	_ =	shalt  }
0x66: {  	_ =	shalt  }
0x67: {  	_ =	shalt  }
0x68: {  	_ =	shalt  }
0x69: {  	_ =	shalt  }
0x6a: {  	_ =	shalt  }
0x6b: {  	_ =	shalt  }
0x6c: {  	_ =	shalt  }
0x6d: {  	_ =	shalt  }
0x6e: {  	_ =	shalt  }
0x6f: {  	_ =	shalt  }
0x70: {  	_ =	shalt  }
0x71: {  	_ =	shalt  }
0x72: {  	_ =	shalt  }
0x73: {  	_ =	shalt  }
0x74: {  	_ =	shalt  }
0x75: {  	_ =	shalt  }
0x76: {  	_ =	shalt  }
0x77: {  	_ =	shalt  }
0x78: {  	_ =	shalt  }
0x79: {  	_ =	shalt  }
0x7a: {  	_ =	shalt  }
0x7b: {  	_ =	shalt  }
0x7c: {  	_ =	shalt  }
0x7d: {  	_ =	shalt  }
0x7e: {  	_ =	shalt  }
0x7f: {  	_ =	shalt  }
0x80: {  	_ =	shalt  }
0x81: {  	_ =	shalt  }
0x82: {  	_ =	shalt  }
0x83: {  	_ =	shalt  }
0x84: {  	_ =	shalt  }
0x85: {  	_ =	shalt  }
0x86: {  	_ =	shalt  }
0x87: {  	_ =	shalt  }
.Lfunc_end0:
.L_simem_size_0:
called_computation.1_lowered:
.L_overlay_start_0:
0x88: {  	s2 =	sld [smem:$0x3FD9]  }
0x89: {  	s3 =	sld [smem:$0x3FFE];
	_ =	sdelay $0x1  }
0x8a: {  	s1 =	srdreg.scid  }
0x8b: {  	s0 =	sand.u32 $0x1, s1  }
0x8c: {  	s17 =	sshll.u32 s0, $0xA;
	s2 =	sadd.s32 s3, s2  }
0x8d: {  	s2 =	sadd.s32 s2, s17  }
0x8e: {  	[smem:$0x3FC0] =	sst s2  }
0x8f: {  	_ = 	snop  }
0x90: {  	s2 =	sld [smem:$0x3FD0];
	(tm) =	ssettm $0x1  }
0x91: {  	s18 =	sld [smem:$0x3FFB];
	_ =	sdelay $0x3  }
0x92: {  	_ =	strace s18  }
0x93: {  	s3 =	sld [smem:$0x3FFC];
	_ =	sdelay $0x3  }
0x94: {  	_ =	strace s3  }
0x95: {  	s3 =	sld [smem:$0x3FFD];
	_ =	sdelay $0x3  }
0x96: {  	_ =	strace s3  }
0x97: {  	_ =	strace $0x8FFFFFFF  }
0x98: {  	s19 =	sld [smem:$0x3FDB];
	_ =	sdelay $0x1  }
0x99: {  	s4 =	simm.s32 $_scs_section_size  }
0x9a: {  	s5 =	simm.s32 $_size__tile_overlayer_lowered;
	s6 =	simm.s32 $_tile_overlayer_lowered  }
0x9b: {  	s22 =	simm.s32 $0x1BFF;
	s21 =	sshll.u32 s6, $0x1;
	s3 =	sadd.s32 s4, s19  }
0x9c: {  	s7 =	simm.s32 $0x0;
	s20 =	sshll.u32 s5, $0x1;
	s5 =	sadd.s32 s21, s3  }
0x9d: {  	[timem:s7], [sflag:s22] =	dma.local [hbm:s5], s20  }
0x9e: {  	_ =	swait.ge [sflag:s22], s20  }
0x9f: {  	s4 =	ssub.s32 $0x0, s20;
	[sflag:s22] =	ssyncset.done $0x0  }
0xa0: {  	[sflag:s22] =	ssyncadd.s32 s4;
	_ =	sdelay $0x1  }
0xa1: {  	s23 =	simm.s32 $0x1B8B  }
0xa2: {  	_ =	swait.ge [sflag:s23], $0x1  }
0xa3: {  	[sflag:s23] =	ssyncset.done $0x0  }
0xa4: {  	s25 =	simm.s32 $0x1B8E;
	s24 =	sld [smem:$0x3FFE];
	[sflag:s23] =	ssyncadd.s32 $0xFFFFFFFF  }
0xa5: {  	s26 =	simm.s32 $execute0_lowered;
	[smem:$0x3FD2] =	sst s25  }
0xa6: {  	s5 =	sshll.u32 s26, $0x1;
	_ =	strace $0x80000046;
	[dreg:$0x1] =	wrdreg $0xFFFFFFFF  }
0xa7: {  	s28 =	simm.s32 $_size_execute0_lowered;
	s3 =	sadd.s32 s3, s5;
	[dreg:$0x0] =	wrdreg $0x0  }
0xa8: {  	s5 =	sshll.u32 s28, $0x1;
	[dreg:$0x2] =	wrdreg s3  }
0xa9: {  	[dreg:$0x3] =	wrdreg s5  }
0xaa: {  	[dreg:$0x4] =	wrdreg $0xC0  }
0xab: {  	_ =	task [dreg:s7], $0x5FFFF  }
0xac: {  	[dreg:$0x1] =	wrdreg $0xFFFFFFFF  }
0xad: {  	[dreg:$0x0] =	wrdreg $0x60  }
0xae: {  	[dreg:$0x2] =	wrdreg s2  }
0xaf: {  	[dreg:$0x3] =	wrdreg s24  }
0xb0: {  	[dreg:$0x4] =	wrdreg $0x0  }
0xb1: {  	[dreg:$0x5] =	wrdreg $0xA  }
0xb2: {  	_ =	task.clear_ibuf [dreg:s7], $0x6FFFF;
	_ =	strace $0x90000046  }
0xb3: {  	s29 =	simm.s32 $0xA;
	_ =	strace $0x80000048  }
0xb4: {  	_ =	swait.ge [sflag:s29], $0x1  }
0xb5: {  	[sflag:s29] =	ssyncadd.s32 $0xFFFFFFFF  }
0xb6: {  	_ =	strace $0x90000048  }
0xb7: {  	_ =	sfence  }
0xb8: {  	s30 =	sld [smem:$0x0];
	_ =	sdelay $0x2  }
0xb9: {  	s31 =	sshll.u32 s1, $0xD;
	s1 =	sshrl.u32 s1, $0x2  }
0xba: {  	s3 =	sand.u32 $0x4000, s31;
	s1 =	sadd.s32 s1, s30  }
0xbb: {  	s0 =	sor.u32 s3, s0;
	s1 =	sshll.u32 s1, $0x11  }
0xbc: {  	s0 =	sor.u32 s1, s0  }
0xbd: {  	s0 =	sadd.s32 $0x8F2B, s0  }
0xbe: {  	[sflag:s0] =	ssyncadd.remote.s32 $0x1  }
0xbf: {  	_ =	sfence.sel $0xFFFF  }
0xc0: {  	[dreg:$0x0] =	wrdreg $0xFFFFFFFF;
	(pc) =	sbr.abs _section_cstart, $3  }
0xc1: {  	[dreg:$0x1] =	wrdreg $0xFFFFFFFF  }
0xc2: {  	_ =	task.clear_ibuf [dreg:s7], $0x2FFFF;
	_ =	strace $0x9FFFFFFF  }
0xc3: {  	(tm) =	ssettm $0x7FFFFFFF  }
tec
execute0_lowered:
.L_overlay_start_1:
0x0: {  	(tag) =	ssettag $0x1  }
0x1: {  	s1 =	rddreg [dreg:$0x0]  }
0x2: {  	s8 =	rddreg [dreg:$0x1]  }
0x3: {  	s2 =	rddreg [dreg:$0x2];
	s3 =	srdreg.scid  }
0x4: {  	s0 =	rddreg [dreg:$0x3];
	s4 =	simm.s32 $0x0;
	s15 =	simm.s32 $0x15000  }
0x5: {  	s16 =	simm.s32 $0x80;
	s17 =	simm.s32 $0x16000;
	s18 =	simm.s32 $0x14080  }
0x6: {  	s19 =	simm.s32 $0x1A000;
	s20 =	simm.s32 $0x1;
	s21 =	simm.s32 $0x2  }
0x7: {  	s23 =	simm.s32 $0x15F80;
	s22 =	sand.u32 $0x1, s3;
	s3 =	stileid.u32  }
0x8: {  	[smem:$0x7FF] =	sst s4;
	s5 =	sadd.s32 $0x1E00, s8;
	s7 =	smul.u32 $0x140000, s22  }
0x9: {  	s6 =	sadd.s32 $0x15E00, s8;
	s9 =	smul.u32 $0x14000, s3;
	_ =	strace $0x80000047  }
0xa: {  	s10 =	ssub.s32 $0x2, s22;
	s30 =	smul.u32 $0x50000, s3;
	p0 =	seq.s32 s22, $0x0  }
0xb: {  	s31 =	sshll.u32 s3, $0xC;
	s13 =	sshll.u32 s3, $0x6;
	s11 =	sshrl.u32 s10, $0x1  }
0xc: {  	s9 =	sadd.s32 s9, s7;
	s7 =	sadd.s32 $0x1FE00, s8;
	s11 =	ssub.s32 s10, s11  }
0xd: {  	s10 =	sshll.u32 s3, $0xE;
	s9 =	sshrl.u32 s9, $0x3;
	s11 =	smax.u32 s11, $0x1  }
0xe: {  	s12 =	sadd.s32 s9, s8;
	s8 =	sor.u32 $0x40000, s31;
	s9 =	sshrl.u32 s30, $0x2  }
0xf: {  	s8 =	smov.u32 @p0 s10;
	s14 =	sadd.s32 s9, s2;
	s9 =	sor.u32 $0x1C03, s13  }
0x10: {  	s10 =	sadd.s32 $0x22600, s12;
	s13 =	simm.s32 $0x3;
	p0 =	sne.s32 s22, $0x0  }
0x11: {  	s22 =	simm.s32 $0x15F00;
	s12 =	sshrl.u32 s14, $0x3;
	s14 =	simm.s32 $0x14000  }
.LBB2_1:
0x12: {  	[spmem:s12], [sflag:s9] =	dma.local [hbm:s7], $0x2800  }
0x13: {  	_ =	swait.ge [sflag:s13], $0x2800  }
0x14: {  	[sflag:s13] =	ssyncset.done $0x0  }
0x15: {  	[sflag:s13] =	ssyncadd.s32 $0xFFFFD800  }
0x16: {  	s24 =	simm.s32 $0x0;
	[bflag:$0x0] =	sbarrier.arrive $0xFFFF  }
.LBB2_2:
0x17: {  	s25 =	sshll.u32 s24, $0xC  }
0x18: {  	s25 =	sadd.s32 s8, s25  }
0x19: {  	s25 =	sshrl.u32 s25, $0x3  }
0x1a: {  	s28 =	simm.s32 $0x0;
	s26 =	sadd.s32 s5, s25  }
0x1b: {  	[tilespmem:s14], [sflag:$0x3] =	stream.linear.gather [hbm4b:s26+s28], $0x1000, $0x38;
	[tilespmem:$0x1E000] =	vst v63  }
0x1c: {  	_ =	swait.ge [sflag:s13], $0x1000  }
0x1d: {  	[sflag:s13] =	ssyncset.done $0x0  }
0x1e: {  	s25 =	sadd.s32 s6, s25;
	[sflag:s13] =	ssyncadd.s32 $0xFFFFF000  }
0x1f: {  	[tilespmem:s15], [sflag:$0x3] =	stream.linear.gather [hbm4b:s25+s28], $0x1000, $0x38;
	[tilespmem:$0x1E000] =	vst v63  }
0x20: {  	_ =	swait.ge [sflag:s13], $0x1000  }
0x21: {  	[sflag:s13] =	ssyncset.done $0x0  }
0x22: {  	[sflag:s13] =	ssyncadd.s32 $0xFFFFF000  }
0x23: {  	[tilespmem:s17], [sflag:$0x1] =	stream.indirect.gather [hbm4b:s1+s16], $0x80, s14, s16, $0xb8;
	[tilespmem:$0x1E000] =	vst v63  }
0x24: {  	_ = 	snop  }
0x25: {  	[tilespmem:s19], [sflag:$0x2] =	stream.indirect.gather [hbm4b:s1+s16], $0x80, s18, s16, $0xb8;
	[tilespmem:$0x1E000] =	vst v63  }
0x26: {  	_ =	swait.ge [sflag:s20], $0x4000  }
0x27: {  	[sflag:s20] =	ssyncset.done $0x0  }
0x28: {  	s29 =	simm.s32 $0x15000;
	[sflag:s20] =	ssyncadd.s32 $0xFFFFC000  }
0x29: {  	[spmem:s2] =	stream.indirect.scatter.add.f32 [tilespmem:s17], [sflag:$0x3], $0x80, s29, s16, $0xb8;
	[tilespmem:$0x1E000] =	vst v63  }
0x2a: {  	_ =	swait.ge [sflag:s13], $0x4000  }
0x2b: {  	[sflag:s13] =	ssyncset.done $0x0  }
0x2c: {  	s30 =	simm.s32 $0x14100;
	[sflag:s13] =	ssyncadd.s32 $0xFFFFC000  }
0x2d: {  	[tilespmem:s17], [sflag:$0x1] =	stream.indirect.gather [hbm4b:s1+s16], $0x80, s30, s16, $0xb8;
	[tilespmem:$0x1E000] =	vst v63  }
0x2e: {  	_ =	swait.ge [sflag:s21], $0x4000  }
0x2f: {  	[sflag:s21] =	ssyncset.done $0x0  }
0x30: {  	s31 =	simm.s32 $0x15080;
	[sflag:s21] =	ssyncadd.s32 $0xFFFFC000  }
0x31: {  	[spmem:s2] =	stream.indirect.scatter.add.f32 [tilespmem:s19], [sflag:$0x3], $0x80, s31, s16, $0xb8;
	[tilespmem:$0x1E000] =	vst v63  }
0x32: {  	_ =	swait.ge [sflag:s13], $0x4000  }
0x33: {  	[sflag:s13] =	ssyncset.done $0x0  }
0x34: {  	s26 =	simm.s32 $0x14180;
	s25 =	simm.s32 $0x400;
	[sflag:s13] =	ssyncadd.s32 $0xFFFFC000  }
.LBB2_3:
0x35: {  	[tilespmem:s19], [sflag:$0x2] =	stream.indirect.gather [hbm4b:s1+s16], $0x80, s26, s16, $0xb8;
	[tilespmem:$0x1E000] =	vst v63  }
0x36: {  	s26 =	smov.u32 s25  }
0x37: {  	p1 =	sne.s32 s25, $0x3800;
	s25 =	sadd.s32 $0x400, s25;
	_ =	swait.ge [sflag:s20], $0x4000  }
0x38: {  	s26 =	sshra.s32 s26, $0x2;
	[sflag:s20] =	ssyncset.done $0x0  }
0x39: {  	s28 =	sadd.s32 $0x15000, s26;
	[sflag:s20] =	ssyncadd.s32 $0xFFFFC000  }
0x3a: {  	[spmem:s2] =	stream.indirect.scatter.add.f32 [tilespmem:s17], [sflag:$0x3], $0x80, s28, s16, $0xb8;
	[tilespmem:$0x1E000] =	vst v63  }
0x3b: {  	_ =	swait.ge [sflag:s13], $0x4000  }
0x3c: {  	[sflag:s13] =	ssyncset.done $0x0  }
0x3d: {  	s28 =	sadd.s32 $0x14100, s26;
	[sflag:s13] =	ssyncadd.s32 $0xFFFFC000  }
0x3e: {  	[tilespmem:s17], [sflag:$0x1] =	stream.indirect.gather [hbm4b:s1+s16], $0x80, s28, s16, $0xb8;
	[tilespmem:$0x1E000] =	vst v63  }
0x3f: {  	_ =	swait.ge [sflag:s21], $0x4000  }
0x40: {  	[sflag:s21] =	ssyncset.done $0x0  }
.Ltmp0:
0x41: {  	s28 =	sadd.s32 $0x15080, s26;
	[sflag:s21] =	ssyncadd.s32 $0xFFFFC000;
	(pc) =	sbr.rel @p1 .LBB2_3-.Ltmp0, $4  }
0x42: {  	[spmem:s2] =	stream.indirect.scatter.add.f32 [tilespmem:s19], [sflag:$0x3], $0x80, s28, s16, $0xb8;
	[tilespmem:$0x1E000] =	vst v63  }
0x43: {  	_ =	swait.ge [sflag:s13], $0x4000  }
0x44: {  	[sflag:s13] =	ssyncset.done $0x0  }
0x45: {  	s26 =	sadd.s32 $0x14180, s26;
	[sflag:s13] =	ssyncadd.s32 $0xFFFFC000  }
0x46: {  	[tilespmem:s19], [sflag:$0x2] =	stream.indirect.gather [hbm4b:s1+s16], $0x80, s26, s16, $0xb8;
	[tilespmem:$0x1E000] =	vst v63  }
0x47: {  	_ =	swait.ge [sflag:s20], $0x4000  }
0x48: {  	[sflag:s20] =	ssyncset.done $0x0  }
0x49: {  	[sflag:s20] =	ssyncadd.s32 $0xFFFFC000  }
0x4a: {  	[spmem:s2] =	stream.indirect.scatter.add.f32 [tilespmem:s17], [sflag:$0x3], $0x80, s22, s16, $0xb8;
	[tilespmem:$0x1E000] =	vst v63  }
0x4b: {  	_ =	swait.ge [sflag:s13], $0x4000  }
0x4c: {  	[sflag:s13] =	ssyncset.done $0x0  }
0x4d: {  	[sflag:s13] =	ssyncadd.s32 $0xFFFFC000  }
0x4e: {  	p1 =	slt.u32 @!p0 s24, $0x3;
	_ =	swait.ge [sflag:s21], $0x4000  }
0x4f: {  	p1 =	por p0, !p1;
	[sflag:s21] =	ssyncset.done $0x0  }
.Ltmp1:
0x50: {  	[sflag:s21] =	ssyncadd.s32 $0xFFFFC000;
	(pc) =	sbr.rel @!p1 .LBB2_2-.Ltmp1, $4  }
0x51: {  	[spmem:s2] =	stream.indirect.scatter.add.f32 [tilespmem:s19], [sflag:$0x3], $0x80, s23, s16, $0xb8;
	[tilespmem:$0x1E000] =	vst v63  }
0x52: {  	_ =	swait.ge [sflag:s13], $0x4000  }
0x53: {  	[sflag:s13] =	ssyncset.done $0x0  }
0x54: {  	s24 =	sadd.s32 $0x1, s24;
	[sflag:s13] =	ssyncadd.s32 $0xFFFFC000  }
0x55: {  	s4 =	sadd.s32 $0x1, s4  }
0x56: {  	p1 =	sne.s32 s4, s11  }
.Ltmp2:
0x57: {  	[bflag:$0x0] =	sbarrier.arrive $0xFFFF;
	(pc) =	sbr.rel @p1 .LBB2_1-.Ltmp2, $4  }
0x58: {  	[hbm:s10], [sflag:s9] =	dma.local [spmem:s12], $0x2800  }
0x59: {  	_ =	swait.ge [sflag:s13], $0x2800  }
0x5a: {  	[sflag:s13] =	ssyncset.done $0x0  }
0x5b: {  	[sflag:s13] =	ssyncadd.s32 $0xFFFFD800  }
0x5c: {  	_ =	sfence.sel $0x180000  }
0x5d: {  	[bflag:$0x0] =	sbarrier.arrive $0xFFFF  }
0x5e: {  	p0 =	sne.s32 s3, $0x0;
	_ =	strace $0x90000047  }
0x5f: {  	s0 =	sadd.s32 @!p0 $0x100000, s0;
	[bflag:$0x2] =	sbarrier.arrive $0xFFFF  }
0x60: {  	[sflag:s0] =	ssyncadd.tile.s32 @!p0 $0x1;
	_ =	shalt  }
.Lfunc_end2:
_tile_overlayer_lowered:
.L_overlay_start_2:
0x61: {  	(tag) =	ssettag $0x2  }
0x62: {  	s0 =	rddreg [dreg:$0x0];
	s2 =	stileid.u32  }
0x63: {  	s1 =	rddreg [dreg:$0x1];
	p0 =	sne.s32 s2, $0x0  }
0x64: {  	s3 =	rddreg [dreg:$0x2];
	[bflag:$0x3] =	sbarrier.arrive $0xFFFF;
	s2 =	simm.s32 @!p0 $0x1C03  }
0x65: {  	[timem:s3], [sflag:s2] =	dma.local @!p0 [hbm:s0], s1  }
0x66: {  	s0 =	simm.s32 @!p0 $0x3  }
0x67: {  	_ =	swait.ge @!p0 [sflag:s0], s1  }
0x68: {  	s1 =	ssub.s32 @!p0 $0x0, s1;
	[sflag:s0] =	ssyncset.done @!p0 $0x0  }
0x69: {  	[sflag:s0] =	ssyncadd.s32 @!p0 s1  }
0x6a: {  	[bflag:$0x3] =	sbarrier.arrive $0xFFFF  }
0x6b: {  	_ =	shalt  }

// kernel: kernel.14.cloned.1.call-start
scs
__scs_entry_jumppad:
0x0: {  	(pc) =	sbr.rel $0x88, $3  }
0x1: {  	(tag) =	ssettag $0x0;
	lr =	simm.s32 $0x1  }
0x2: {  	[smem:$0x3F99] =	sst lr;
	_ =	strace $0xD0000000  }
0x3: {  	_ = 	snop  }
0x4: {  	_ = 	snop  }
0x5: {  	_ = 	snop  }
0x6: {  	_ = 	snop  }
0x7: {  	_ = 	snop  }
__scs_overlays_trampoline_lowered:
0x8: {  	[smem:$0x3FA8] =	sst s0  }
0x9: {  	[smem:$0x3FA9] =	sst s1  }
0xa: {  	[smem:$0x3FAA] =	sst s2  }
0xb: {  	[smem:$0x3FAB] =	sst s3  }
0xc: {  	[smem:$0x3FAC] =	sst s4  }
0xd: {  	[smem:$0x3FAD] =	sst s5  }
0xe: {  	[smem:$0x3FAE] =	sst s6  }
0xf: {  	[smem:$0x3FAF] =	sst s7  }
0x10: {  	[smem:$0x3FB0] =	sst s8  }
0x11: {  	[smem:$0x3FB1] =	sst s9;
	s0 =	simm.s32 @!p0 $0x0  }
0x12: {  	s1 =	sld [smem:$0x3F97];
	s0 =	simm.s32 @p0 $0x1  }
0x13: {  	[smem:$0x3FB2] =	sst s0;
	s0 =	simm.s32 @!p1 $0x0  }
0x14: {  	s2 =	sld [smem:$0x3F96];
	s0 =	simm.s32 @p1 $0x1  }
0x15: {  	[smem:$0x3FB3] =	sst s0;
	s0 =	simm.s32 @!p2 $0x0  }
0x16: {  	s3 =	sld [smem:$0x3FDB];
	s0 =	simm.s32 @p2 $0x1  }
0x17: {  	s4 =	simm.s32 $0x1BF5;
	[smem:$0x3FB5] =	sst s0  }
0x18: {  	s0 =	sld [smem:$0x3F98];
	_ =	swait.ge [sflag:s4], $0x0  }
0x19: {  	s7 =	sld [smem:$0x3F99]  }
0x1a: {  	s8 =	sadd.s32 $0xFFFFE003, lr  }
0x1b: {  	s9 =	sadd.s32 $0xFFFFFEF7, lr;
	s5 =	simm.s32 $0xFFFFFFFF;
	p2 =	slt.u32 s8, $0xFFFFF086  }
0x1c: {  	p1 =	slt.u32 s9, $0xF7A;
	s5 =	simm.s32 @!p2 $0x0  }
0x1d: {  	s5 =	simm.s32 @p1 $0x1;
	p0 =	seq.s32 s7, s2  }
0x1e: {  	s7 =	smul.u32 @!p0 $0xF7A, s2;
	p2 =	seq.s32 @!p0 s5, $0x0  }
0x1f: {  	s9 =	smul.u32 $0xF7A, s1;
	s8 =	simm.s32 @!p0 $0x1BF5;
	p2 =	por !p2, p0  }
0x20: {  	[sflag:s8] =	ssyncset.s32 @!p0 $0xFFFFF086;
	s6 =	sadd.s32 @!p0 s3, s7;
	s7 =	simm.s32 @!p0 $0x108  }
0x21: {  	s3 =	sadd.s32 s3, s9;
	s6 =	sadd.s32 @!p0 $0x88, s6;
	s7 =	simm.s32 @p2 $0x1082  }
0x22: {  	[simem:s7], [sflag:s8] =	dma.local @!p0 [hbm:s6], $0xF7A  }
0x23: {  	s9 =	sor.u32 $0xD0000000, s2;
	s6 =	simm.s32 $0x108;
	_ =	swait.ge @!p0 [sflag:s8], $0x0  }
0x24: {  	s3 =	sadd.s32 $0x88, s3;
	s6 =	simm.s32 @!p1 $0x1082;
	[sflag:s4] =	ssyncset.s32 $0xFFFFF086  }
0x25: {  	[simem:s6], [sflag:s4] =	dma.local [hbm:s3], $0xF7A  }
0x26: {  	[smem:$0x3F99] =	sst s1;
	(tag) =	ssettag s2;
	_ =	strace s9  }
0x27: {  	s1 =	sld [smem:$0x3FA9]  }
0x28: {  	s2 =	sld [smem:$0x3FAA]  }
0x29: {  	s4 =	sld [smem:$0x3FAC]  }
0x2a: {  	p0 =	seq.s32 s5, $0x0;
	s5 =	sld [smem:$0x3FAD]  }
0x2b: {  	s6 =	sld [smem:$0x3FAE]  }
0x2c: {  	s7 =	sld [smem:$0x3FAF]  }
0x2d: {  	s3 =	simm.s32 $0x108;
	s8 =	sld [smem:$0x3FB0]  }
0x2e: {  	s3 =	simm.s32 @!p0 $0x1082;
	s9 =	sld [smem:$0x3FB1]  }
0x2f: {  	lr =	sadd.s32 s0, s3;
	s0 =	sld [smem:$0x3FA8]  }
0x30: {  	s3 =	sld [smem:$0x3FAB]  }
0x31: {  	[smem:$0x3FB4] =	sst s10  }
0x32: {  	s10 =	sld [smem:$0x3FB2];
	_ =	sdelay $0x3  }
0x33: {  	p0 =	seq.s32 s10, $0x1;
	s10 =	sld [smem:$0x3FB4];
	_ =	sdelay $0x3  }
0x34: {  	[smem:$0x3FB4] =	sst s10  }
0x35: {  	s10 =	sld [smem:$0x3FB3];
	_ =	sdelay $0x3  }
0x36: {  	p1 =	seq.s32 s10, $0x1;
	s10 =	sld [smem:$0x3FB4];
	_ =	sdelay $0x3  }
0x37: {  	[smem:$0x3FB4] =	sst s10  }
0x38: {  	s10 =	sld [smem:$0x3FB5]  }
0x39: {  	_ = 	snop;
	(pc) =	sbr.ind lr, $3  }
0x3a: {  	_ = 	snop  }
0x3b: {  	_ = 	snop  }
0x3c: {  	p2 =	seq.s32 s10, $0x1;
	s10 =	sld [smem:$0x3FB4]  }
0x3d: {  	_ =	shalt  }
0x3e: {  	_ =	shalt  }
0x3f: {  	_ =	shalt  }
0x40: {  	_ =	shalt  }
0x41: {  	_ =	shalt  }
0x42: {  	_ =	shalt  }
0x43: {  	_ =	shalt  }
0x44: {  	_ =	shalt  }
0x45: {  	_ =	shalt  }
0x46: {  	_ =	shalt  }
0x47: {  	_ =	shalt  }
0x48: {  	_ =	shalt  }
0x49: {  	_ =	shalt  }
0x4a: {  	_ =	shalt  }
0x4b: {  	_ =	shalt  }
0x4c: {  	_ =	shalt  }
0x4d: {  	_ =	shalt  }
0x4e: {  	_ =	shalt  }
0x4f: {  	_ =	shalt  }
0x50: {  	_ =	shalt  }
0x51: {  	_ =	shalt  }
0x52: {  	_ =	shalt  }
0x53: {  	_ =	shalt  }
0x54: {  	_ =	shalt  }
0x55: {  	_ =	shalt  }
0x56: {  	_ =	shalt  }
0x57: {  	_ =	shalt  }
0x58: {  	_ =	shalt  }
0x59: {  	_ =	shalt  }
0x5a: {  	_ =	shalt  }
0x5b: {  	_ =	shalt  }
0x5c: {  	_ =	shalt  }
0x5d: {  	_ =	shalt  }
0x5e: {  	_ =	shalt  }
0x5f: {  	_ =	shalt  }
0x60: {  	_ =	shalt  }
0x61: {  	_ =	shalt  }
0x62: {  	_ =	shalt  }
0x63: {  	_ =	shalt  }
0x64: {  	_ =	shalt  }
0x65: {  	_ =	shalt  }
0x66: {  	_ =	shalt  }
0x67: {  	_ =	shalt  }
0x68: {  	_ =	shalt  }
0x69: {  	_ =	shalt  }
0x6a: {  	_ =	shalt  }
0x6b: {  	_ =	shalt  }
0x6c: {  	_ =	shalt  }
0x6d: {  	_ =	shalt  }
0x6e: {  	_ =	shalt  }
0x6f: {  	_ =	shalt  }
0x70: {  	_ =	shalt  }
0x71: {  	_ =	shalt  }
0x72: {  	_ =	shalt  }
0x73: {  	_ =	shalt  }
0x74: {  	_ =	shalt  }
0x75: {  	_ =	shalt  }
0x76: {  	_ =	shalt  }
0x77: {  	_ =	shalt  }
0x78: {  	_ =	shalt  }
0x79: {  	_ =	shalt  }
0x7a: {  	_ =	shalt  }
0x7b: {  	_ =	shalt  }
0x7c: {  	_ =	shalt  }
0x7d: {  	_ =	shalt  }
0x7e: {  	_ =	shalt  }
0x7f: {  	_ =	shalt  }
0x80: {  	_ =	shalt  }
0x81: {  	_ =	shalt  }
0x82: {  	_ =	shalt  }
0x83: {  	_ =	shalt  }
0x84: {  	_ =	shalt  }
0x85: {  	_ =	shalt  }
0x86: {  	_ =	shalt  }
0x87: {  	_ =	shalt  }
.Lfunc_end0:
.L_simem_size_0:
called_computation.2_lowered:
.L_overlay_start_0:
0x88: {  	s2 =	sld [smem:$0x3FD9]  }
0x89: {  	s3 =	sld [smem:$0x3FFE];
	_ =	sdelay $0x1  }
0x8a: {  	s1 =	srdreg.scid  }
0x8b: {  	s0 =	sand.u32 $0x1, s1  }
0x8c: {  	s17 =	sshll.u32 s0, $0xA;
	s2 =	sadd.s32 s3, s2  }
0x8d: {  	s2 =	sadd.s32 s2, s17  }
0x8e: {  	[smem:$0x3FC0] =	sst s2  }
0x8f: {  	_ = 	snop  }
0x90: {  	s2 =	sld [smem:$0x3FD0];
	(tm) =	ssettm $0x1  }
0x91: {  	s18 =	sld [smem:$0x3FFB];
	_ =	sdelay $0x3  }
0x92: {  	_ =	strace s18  }
0x93: {  	s3 =	sld [smem:$0x3FFC];
	_ =	sdelay $0x3  }
0x94: {  	_ =	strace s3  }
0x95: {  	s3 =	sld [smem:$0x3FFD];
	_ =	sdelay $0x3  }
0x96: {  	_ =	strace s3  }
0x97: {  	_ =	strace $0x8FFFFFFF  }
0x98: {  	s19 =	sld [smem:$0x3FDB];
	_ =	sdelay $0x1  }
0x99: {  	s4 =	simm.s32 $_scs_section_size  }
0x9a: {  	s5 =	simm.s32 $_size__tile_overlayer_lowered;
	s6 =	simm.s32 $_tile_overlayer_lowered  }
0x9b: {  	s22 =	simm.s32 $0x1BFF;
	s21 =	sshll.u32 s6, $0x1;
	s3 =	sadd.s32 s4, s19  }
0x9c: {  	s7 =	simm.s32 $0x0;
	s20 =	sshll.u32 s5, $0x1;
	s5 =	sadd.s32 s21, s3  }
0x9d: {  	[timem:s7], [sflag:s22] =	dma.local [hbm:s5], s20  }
0x9e: {  	_ =	swait.ge [sflag:s22], s20  }
0x9f: {  	s4 =	ssub.s32 $0x0, s20;
	[sflag:s22] =	ssyncset.done $0x0  }
0xa0: {  	[sflag:s22] =	ssyncadd.s32 s4;
	_ =	sdelay $0x1  }
0xa1: {  	s23 =	simm.s32 $0x1B8B  }
0xa2: {  	_ =	swait.ge [sflag:s23], $0x1  }
0xa3: {  	[sflag:s23] =	ssyncset.done $0x0  }
0xa4: {  	s25 =	simm.s32 $0x1B8E;
	s24 =	sld [smem:$0x3FFE];
	[sflag:s23] =	ssyncadd.s32 $0xFFFFFFFF  }
0xa5: {  	s26 =	simm.s32 $execute0_lowered;
	[smem:$0x3FD2] =	sst s25  }
0xa6: {  	s5 =	sshll.u32 s26, $0x1;
	_ =	strace $0x8000004C;
	[dreg:$0x1] =	wrdreg $0xFFFFFFFF  }
0xa7: {  	s28 =	simm.s32 $_size_execute0_lowered;
	s3 =	sadd.s32 s3, s5;
	[dreg:$0x0] =	wrdreg $0x0  }
0xa8: {  	s5 =	sshll.u32 s28, $0x1;
	[dreg:$0x2] =	wrdreg s3  }
0xa9: {  	[dreg:$0x3] =	wrdreg s5  }
0xaa: {  	[dreg:$0x4] =	wrdreg $0xC0  }
0xab: {  	_ =	task [dreg:s7], $0x5FFFF  }
0xac: {  	[dreg:$0x1] =	wrdreg $0xFFFFFFFF  }
0xad: {  	[dreg:$0x0] =	wrdreg $0x60  }
0xae: {  	[dreg:$0x2] =	wrdreg s2  }
0xaf: {  	[dreg:$0x3] =	wrdreg s24  }
0xb0: {  	[dreg:$0x4] =	wrdreg $0x0  }
0xb1: {  	[dreg:$0x5] =	wrdreg $0x9  }
0xb2: {  	_ =	task.clear_ibuf [dreg:s7], $0x6FFFF;
	_ =	strace $0x9000004C  }
0xb3: {  	s29 =	simm.s32 $0x9;
	_ =	strace $0x8000004E  }
0xb4: {  	_ =	swait.ge [sflag:s29], $0x1  }
0xb5: {  	[sflag:s29] =	ssyncadd.s32 $0xFFFFFFFF  }
0xb6: {  	_ =	strace $0x9000004E  }
0xb7: {  	_ =	sfence  }
0xb8: {  	s30 =	sld [smem:$0x0];
	_ =	sdelay $0x2  }
0xb9: {  	s31 =	sshll.u32 s1, $0xD;
	s1 =	sshrl.u32 s1, $0x2  }
0xba: {  	s3 =	sand.u32 $0x4000, s31;
	s1 =	sadd.s32 s1, s30  }
0xbb: {  	s0 =	sor.u32 s3, s0;
	s1 =	sshll.u32 s1, $0x11  }
0xbc: {  	s0 =	sor.u32 s1, s0  }
0xbd: {  	s0 =	sadd.s32 $0x8F2B, s0  }
0xbe: {  	[sflag:s0] =	ssyncadd.remote.s32 $0x1  }
0xbf: {  	_ =	sfence.sel $0xFFFF  }
0xc0: {  	[dreg:$0x0] =	wrdreg $0xFFFFFFFF;
	(pc) =	sbr.abs _section_cstart, $3  }
0xc1: {  	[dreg:$0x1] =	wrdreg $0xFFFFFFFF  }
0xc2: {  	_ =	task.clear_ibuf [dreg:s7], $0x2FFFF;
	_ =	strace $0x9FFFFFFF  }
0xc3: {  	(tm) =	ssettm $0x7FFFFFFF  }
tec
execute0_lowered:
.L_overlay_start_1:
0x0: {  	(tag) =	ssettag $0x1  }
0x1: {  	s1 =	rddreg [dreg:$0x0]  }
0x2: {  	s8 =	rddreg [dreg:$0x1]  }
0x3: {  	s2 =	rddreg [dreg:$0x2];
	s3 =	srdreg.scid  }
0x4: {  	s0 =	rddreg [dreg:$0x3];
	s4 =	simm.s32 $0x0;
	s15 =	simm.s32 $0x15000  }
0x5: {  	s16 =	simm.s32 $0x80;
	s17 =	simm.s32 $0x16000;
	s18 =	simm.s32 $0x14080  }
0x6: {  	s19 =	simm.s32 $0x1A000;
	s20 =	simm.s32 $0x1;
	s21 =	simm.s32 $0x2  }
0x7: {  	s23 =	simm.s32 $0x15F80;
	s22 =	sand.u32 $0x1, s3;
	s3 =	stileid.u32  }
0x8: {  	[smem:$0x7FF] =	sst s4;
	s5 =	sadd.s32 $0x1E00, s8;
	s7 =	smul.u32 $0x140000, s22  }
0x9: {  	s6 =	sadd.s32 $0x15E00, s8;
	s9 =	smul.u32 $0x14000, s3;
	_ =	strace $0x8000004D  }
0xa: {  	s10 =	ssub.s32 $0x2, s22;
	s30 =	smul.u32 $0x50000, s3;
	p0 =	seq.s32 s22, $0x0  }
0xb: {  	s31 =	sshll.u32 s3, $0xC;
	s13 =	sshll.u32 s3, $0x6;
	s11 =	sshrl.u32 s10, $0x1  }
0xc: {  	s9 =	sadd.s32 s9, s7;
	s7 =	sadd.s32 $0x1FE00, s8;
	s11 =	ssub.s32 s10, s11  }
0xd: {  	s10 =	sshll.u32 s3, $0xE;
	s9 =	sshrl.u32 s9, $0x3;
	s11 =	smax.u32 s11, $0x1  }
0xe: {  	s12 =	sadd.s32 s9, s8;
	s8 =	sor.u32 $0x40000, s31;
	s9 =	sshrl.u32 s30, $0x2  }
0xf: {  	s8 =	smov.u32 @p0 s10;
	s14 =	sadd.s32 s9, s2;
	s9 =	sor.u32 $0x1C03, s13  }
0x10: {  	s10 =	sadd.s32 $0x22600, s12;
	s13 =	simm.s32 $0x3;
	p0 =	sne.s32 s22, $0x0  }
0x11: {  	s22 =	simm.s32 $0x15F00;
	s12 =	sshrl.u32 s14, $0x3;
	s14 =	simm.s32 $0x14000  }
.LBB2_1:
0x12: {  	[spmem:s12], [sflag:s9] =	dma.local [hbm:s7], $0x2800  }
0x13: {  	_ =	swait.ge [sflag:s13], $0x2800  }
0x14: {  	[sflag:s13] =	ssyncset.done $0x0  }
0x15: {  	[sflag:s13] =	ssyncadd.s32 $0xFFFFD800  }
0x16: {  	s24 =	simm.s32 $0x0;
	[bflag:$0x0] =	sbarrier.arrive $0xFFFF  }
.LBB2_2:
0x17: {  	s25 =	sshll.u32 s24, $0xC  }
0x18: {  	s25 =	sadd.s32 s8, s25  }
0x19: {  	s25 =	sshrl.u32 s25, $0x3  }
0x1a: {  	s28 =	simm.s32 $0x0;
	s26 =	sadd.s32 s5, s25  }
0x1b: {  	[tilespmem:s14], [sflag:$0x3] =	stream.linear.gather [hbm4b:s26+s28], $0x1000, $0x38;
	[tilespmem:$0x1E000] =	vst v63  }
0x1c: {  	_ =	swait.ge [sflag:s13], $0x1000  }
0x1d: {  	[sflag:s13] =	ssyncset.done $0x0  }
0x1e: {  	s25 =	sadd.s32 s6, s25;
	[sflag:s13] =	ssyncadd.s32 $0xFFFFF000  }
0x1f: {  	[tilespmem:s15], [sflag:$0x3] =	stream.linear.gather [hbm4b:s25+s28], $0x1000, $0x38;
	[tilespmem:$0x1E000] =	vst v63  }
0x20: {  	_ =	swait.ge [sflag:s13], $0x1000  }
0x21: {  	[sflag:s13] =	ssyncset.done $0x0  }
0x22: {  	[sflag:s13] =	ssyncadd.s32 $0xFFFFF000  }
0x23: {  	[tilespmem:s17], [sflag:$0x1] =	stream.indirect.gather [hbm4b:s1+s16], $0x80, s14, s16, $0xb8;
	[tilespmem:$0x1E000] =	vst v63  }
0x24: {  	_ = 	snop  }
0x25: {  	[tilespmem:s19], [sflag:$0x2] =	stream.indirect.gather [hbm4b:s1+s16], $0x80, s18, s16, $0xb8;
	[tilespmem:$0x1E000] =	vst v63  }
0x26: {  	_ =	swait.ge [sflag:s20], $0x4000  }
0x27: {  	[sflag:s20] =	ssyncset.done $0x0  }
0x28: {  	s29 =	simm.s32 $0x15000;
	[sflag:s20] =	ssyncadd.s32 $0xFFFFC000  }
0x29: {  	[spmem:s2] =	stream.indirect.scatter.add.f32 [tilespmem:s17], [sflag:$0x3], $0x80, s29, s16, $0xb8;
	[tilespmem:$0x1E000] =	vst v63  }
0x2a: {  	_ =	swait.ge [sflag:s13], $0x4000  }
0x2b: {  	[sflag:s13] =	ssyncset.done $0x0  }
0x2c: {  	s30 =	simm.s32 $0x14100;
	[sflag:s13] =	ssyncadd.s32 $0xFFFFC000  }
0x2d: {  	[tilespmem:s17], [sflag:$0x1] =	stream.indirect.gather [hbm4b:s1+s16], $0x80, s30, s16, $0xb8;
	[tilespmem:$0x1E000] =	vst v63  }
0x2e: {  	_ =	swait.ge [sflag:s21], $0x4000  }
0x2f: {  	[sflag:s21] =	ssyncset.done $0x0  }
0x30: {  	s31 =	simm.s32 $0x15080;
	[sflag:s21] =	ssyncadd.s32 $0xFFFFC000  }
0x31: {  	[spmem:s2] =	stream.indirect.scatter.add.f32 [tilespmem:s19], [sflag:$0x3], $0x80, s31, s16, $0xb8;
	[tilespmem:$0x1E000] =	vst v63  }
0x32: {  	_ =	swait.ge [sflag:s13], $0x4000  }
0x33: {  	[sflag:s13] =	ssyncset.done $0x0  }
0x34: {  	s26 =	simm.s32 $0x14180;
	s25 =	simm.s32 $0x400;
	[sflag:s13] =	ssyncadd.s32 $0xFFFFC000  }
.LBB2_3:
0x35: {  	[tilespmem:s19], [sflag:$0x2] =	stream.indirect.gather [hbm4b:s1+s16], $0x80, s26, s16, $0xb8;
	[tilespmem:$0x1E000] =	vst v63  }
0x36: {  	s26 =	smov.u32 s25  }
0x37: {  	p1 =	sne.s32 s25, $0x3800;
	s25 =	sadd.s32 $0x400, s25;
	_ =	swait.ge [sflag:s20], $0x4000  }
0x38: {  	s26 =	sshra.s32 s26, $0x2;
	[sflag:s20] =	ssyncset.done $0x0  }
0x39: {  	s28 =	sadd.s32 $0x15000, s26;
	[sflag:s20] =	ssyncadd.s32 $0xFFFFC000  }
0x3a: {  	[spmem:s2] =	stream.indirect.scatter.add.f32 [tilespmem:s17], [sflag:$0x3], $0x80, s28, s16, $0xb8;
	[tilespmem:$0x1E000] =	vst v63  }
0x3b: {  	_ =	swait.ge [sflag:s13], $0x4000  }
0x3c: {  	[sflag:s13] =	ssyncset.done $0x0  }
0x3d: {  	s28 =	sadd.s32 $0x14100, s26;
	[sflag:s13] =	ssyncadd.s32 $0xFFFFC000  }
0x3e: {  	[tilespmem:s17], [sflag:$0x1] =	stream.indirect.gather [hbm4b:s1+s16], $0x80, s28, s16, $0xb8;
	[tilespmem:$0x1E000] =	vst v63  }
0x3f: {  	_ =	swait.ge [sflag:s21], $0x4000  }
0x40: {  	[sflag:s21] =	ssyncset.done $0x0  }
.Ltmp0:
0x41: {  	s28 =	sadd.s32 $0x15080, s26;
	[sflag:s21] =	ssyncadd.s32 $0xFFFFC000;
	(pc) =	sbr.rel @p1 .LBB2_3-.Ltmp0, $4  }
0x42: {  	[spmem:s2] =	stream.indirect.scatter.add.f32 [tilespmem:s19], [sflag:$0x3], $0x80, s28, s16, $0xb8;
	[tilespmem:$0x1E000] =	vst v63  }
0x43: {  	_ =	swait.ge [sflag:s13], $0x4000  }
0x44: {  	[sflag:s13] =	ssyncset.done $0x0  }
0x45: {  	s26 =	sadd.s32 $0x14180, s26;
	[sflag:s13] =	ssyncadd.s32 $0xFFFFC000  }
0x46: {  	[tilespmem:s19], [sflag:$0x2] =	stream.indirect.gather [hbm4b:s1+s16], $0x80, s26, s16, $0xb8;
	[tilespmem:$0x1E000] =	vst v63  }
0x47: {  	_ =	swait.ge [sflag:s20], $0x4000  }
0x48: {  	[sflag:s20] =	ssyncset.done $0x0  }
0x49: {  	[sflag:s20] =	ssyncadd.s32 $0xFFFFC000  }
0x4a: {  	[spmem:s2] =	stream.indirect.scatter.add.f32 [tilespmem:s17], [sflag:$0x3], $0x80, s22, s16, $0xb8;
	[tilespmem:$0x1E000] =	vst v63  }
0x4b: {  	_ =	swait.ge [sflag:s13], $0x4000  }
0x4c: {  	[sflag:s13] =	ssyncset.done $0x0  }
0x4d: {  	[sflag:s13] =	ssyncadd.s32 $0xFFFFC000  }
0x4e: {  	p1 =	slt.u32 @!p0 s24, $0x3;
	_ =	swait.ge [sflag:s21], $0x4000  }
0x4f: {  	p1 =	por p0, !p1;
	[sflag:s21] =	ssyncset.done $0x0  }
.Ltmp1:
0x50: {  	[sflag:s21] =	ssyncadd.s32 $0xFFFFC000;
	(pc) =	sbr.rel @!p1 .LBB2_2-.Ltmp1, $4  }
0x51: {  	[spmem:s2] =	stream.indirect.scatter.add.f32 [tilespmem:s19], [sflag:$0x3], $0x80, s23, s16, $0xb8;
	[tilespmem:$0x1E000] =	vst v63  }
0x52: {  	_ =	swait.ge [sflag:s13], $0x4000  }
0x53: {  	[sflag:s13] =	ssyncset.done $0x0  }
0x54: {  	s24 =	sadd.s32 $0x1, s24;
	[sflag:s13] =	ssyncadd.s32 $0xFFFFC000  }
0x55: {  	s4 =	sadd.s32 $0x1, s4  }
0x56: {  	p1 =	sne.s32 s4, s11  }
.Ltmp2:
0x57: {  	[bflag:$0x0] =	sbarrier.arrive $0xFFFF;
	(pc) =	sbr.rel @p1 .LBB2_1-.Ltmp2, $4  }
0x58: {  	[hbm:s10], [sflag:s9] =	dma.local [spmem:s12], $0x2800  }
0x59: {  	_ =	swait.ge [sflag:s13], $0x2800  }
0x5a: {  	[sflag:s13] =	ssyncset.done $0x0  }
0x5b: {  	[sflag:s13] =	ssyncadd.s32 $0xFFFFD800  }
0x5c: {  	_ =	sfence.sel $0x180000  }
0x5d: {  	[bflag:$0x0] =	sbarrier.arrive $0xFFFF  }
0x5e: {  	p0 =	sne.s32 s3, $0x0;
	_ =	strace $0x9000004D  }
0x5f: {  	s0 =	sadd.s32 @!p0 $0x100000, s0;
	[bflag:$0x2] =	sbarrier.arrive $0xFFFF  }
0x60: {  	[sflag:s0] =	ssyncadd.tile.s32 @!p0 $0x1;
	_ =	shalt  }
.Lfunc_end2:
_tile_overlayer_lowered:
.L_overlay_start_2:
0x61: {  	(tag) =	ssettag $0x2  }
0x62: {  	s0 =	rddreg [dreg:$0x0];
	s2 =	stileid.u32  }
0x63: {  	s1 =	rddreg [dreg:$0x1];
	p0 =	sne.s32 s2, $0x0  }
0x64: {  	s3 =	rddreg [dreg:$0x2];
	[bflag:$0x3] =	sbarrier.arrive $0xFFFF;
	s2 =	simm.s32 @!p0 $0x1C03  }
0x65: {  	[timem:s3], [sflag:s2] =	dma.local @!p0 [hbm:s0], s1  }
0x66: {  	s0 =	simm.s32 @!p0 $0x3  }
0x67: {  	_ =	swait.ge @!p0 [sflag:s0], s1  }
0x68: {  	s1 =	ssub.s32 @!p0 $0x0, s1;
	[sflag:s0] =	ssyncset.done @!p0 $0x0  }
0x69: {  	[sflag:s0] =	ssyncadd.s32 @!p0 s1  }
0x6a: {  	[bflag:$0x3] =	sbarrier.arrive $0xFFFF  }
0x6b: {  	_ =	shalt  }

// kernel: kernel.8.cloned.1.call-start
scs
__scs_entry_jumppad:
0x0: {  	(pc) =	sbr.rel $0x88, $3  }
0x1: {  	(tag) =	ssettag $0x0;
	lr =	simm.s32 $0x1  }
0x2: {  	[smem:$0x3F99] =	sst lr;
	_ =	strace $0xD0000000  }
0x3: {  	_ = 	snop  }
0x4: {  	_ = 	snop  }
0x5: {  	_ = 	snop  }
0x6: {  	_ = 	snop  }
0x7: {  	_ = 	snop  }
__scs_overlays_trampoline_lowered:
0x8: {  	[smem:$0x3FA8] =	sst s0  }
0x9: {  	[smem:$0x3FA9] =	sst s1  }
0xa: {  	[smem:$0x3FAA] =	sst s2  }
0xb: {  	[smem:$0x3FAB] =	sst s3  }
0xc: {  	[smem:$0x3FAC] =	sst s4  }
0xd: {  	[smem:$0x3FAD] =	sst s5  }
0xe: {  	[smem:$0x3FAE] =	sst s6  }
0xf: {  	[smem:$0x3FAF] =	sst s7  }
0x10: {  	[smem:$0x3FB0] =	sst s8  }
0x11: {  	[smem:$0x3FB1] =	sst s9;
	s0 =	simm.s32 @!p0 $0x0  }
0x12: {  	s1 =	sld [smem:$0x3F97];
	s0 =	simm.s32 @p0 $0x1  }
0x13: {  	[smem:$0x3FB2] =	sst s0;
	s0 =	simm.s32 @!p1 $0x0  }
0x14: {  	s2 =	sld [smem:$0x3F96];
	s0 =	simm.s32 @p1 $0x1  }
0x15: {  	[smem:$0x3FB3] =	sst s0;
	s0 =	simm.s32 @!p2 $0x0  }
0x16: {  	s3 =	sld [smem:$0x3FDB];
	s0 =	simm.s32 @p2 $0x1  }
0x17: {  	s4 =	simm.s32 $0x1BF5;
	[smem:$0x3FB5] =	sst s0  }
0x18: {  	s0 =	sld [smem:$0x3F98];
	_ =	swait.ge [sflag:s4], $0x0  }
0x19: {  	s7 =	sld [smem:$0x3F99]  }
0x1a: {  	s8 =	sadd.s32 $0xFFFFE003, lr  }
0x1b: {  	s9 =	sadd.s32 $0xFFFFFEF7, lr;
	s5 =	simm.s32 $0xFFFFFFFF;
	p2 =	slt.u32 s8, $0xFFFFF086  }
0x1c: {  	p1 =	slt.u32 s9, $0xF7A;
	s5 =	simm.s32 @!p2 $0x0  }
0x1d: {  	s5 =	simm.s32 @p1 $0x1;
	p0 =	seq.s32 s7, s2  }
0x1e: {  	s7 =	smul.u32 @!p0 $0xF7A, s2;
	p2 =	seq.s32 @!p0 s5, $0x0  }
0x1f: {  	s9 =	smul.u32 $0xF7A, s1;
	s8 =	simm.s32 @!p0 $0x1BF5;
	p2 =	por !p2, p0  }
0x20: {  	[sflag:s8] =	ssyncset.s32 @!p0 $0xFFFFF086;
	s6 =	sadd.s32 @!p0 s3, s7;
	s7 =	simm.s32 @!p0 $0x108  }
0x21: {  	s3 =	sadd.s32 s3, s9;
	s6 =	sadd.s32 @!p0 $0x88, s6;
	s7 =	simm.s32 @p2 $0x1082  }
0x22: {  	[simem:s7], [sflag:s8] =	dma.local @!p0 [hbm:s6], $0xF7A  }
0x23: {  	s9 =	sor.u32 $0xD0000000, s2;
	s6 =	simm.s32 $0x108;
	_ =	swait.ge @!p0 [sflag:s8], $0x0  }
0x24: {  	s3 =	sadd.s32 $0x88, s3;
	s6 =	simm.s32 @!p1 $0x1082;
	[sflag:s4] =	ssyncset.s32 $0xFFFFF086  }
0x25: {  	[simem:s6], [sflag:s4] =	dma.local [hbm:s3], $0xF7A  }
0x26: {  	[smem:$0x3F99] =	sst s1;
	(tag) =	ssettag s2;
	_ =	strace s9  }
0x27: {  	s1 =	sld [smem:$0x3FA9]  }
0x28: {  	s2 =	sld [smem:$0x3FAA]  }
0x29: {  	s4 =	sld [smem:$0x3FAC]  }
0x2a: {  	p0 =	seq.s32 s5, $0x0;
	s5 =	sld [smem:$0x3FAD]  }
0x2b: {  	s6 =	sld [smem:$0x3FAE]  }
0x2c: {  	s7 =	sld [smem:$0x3FAF]  }
0x2d: {  	s3 =	simm.s32 $0x108;
	s8 =	sld [smem:$0x3FB0]  }
0x2e: {  	s3 =	simm.s32 @!p0 $0x1082;
	s9 =	sld [smem:$0x3FB1]  }
0x2f: {  	lr =	sadd.s32 s0, s3;
	s0 =	sld [smem:$0x3FA8]  }
0x30: {  	s3 =	sld [smem:$0x3FAB]  }
0x31: {  	[smem:$0x3FB4] =	sst s10  }
0x32: {  	s10 =	sld [smem:$0x3FB2];
	_ =	sdelay $0x3  }
0x33: {  	p0 =	seq.s32 s10, $0x1;
	s10 =	sld [smem:$0x3FB4];
	_ =	sdelay $0x3  }
0x34: {  	[smem:$0x3FB4] =	sst s10  }
0x35: {  	s10 =	sld [smem:$0x3FB3];
	_ =	sdelay $0x3  }
0x36: {  	p1 =	seq.s32 s10, $0x1;
	s10 =	sld [smem:$0x3FB4];
	_ =	sdelay $0x3  }
0x37: {  	[smem:$0x3FB4] =	sst s10  }
0x38: {  	s10 =	sld [smem:$0x3FB5]  }
0x39: {  	_ = 	snop;
	(pc) =	sbr.ind lr, $3  }
0x3a: {  	_ = 	snop  }
0x3b: {  	_ = 	snop  }
0x3c: {  	p2 =	seq.s32 s10, $0x1;
	s10 =	sld [smem:$0x3FB4]  }
0x3d: {  	_ =	shalt  }
0x3e: {  	_ =	shalt  }
0x3f: {  	_ =	shalt  }
0x40: {  	_ =	shalt  }
0x41: {  	_ =	shalt  }
0x42: {  	_ =	shalt  }
0x43: {  	_ =	shalt  }
0x44: {  	_ =	shalt  }
0x45: {  	_ =	shalt  }
0x46: {  	_ =	shalt  }
0x47: {  	_ =	shalt  }
0x48: {  	_ =	shalt  }
0x49: {  	_ =	shalt  }
0x4a: {  	_ =	shalt  }
0x4b: {  	_ =	shalt  }
0x4c: {  	_ =	shalt  }
0x4d: {  	_ =	shalt  }
0x4e: {  	_ =	shalt  }
0x4f: {  	_ =	shalt  }
0x50: {  	_ =	shalt  }
0x51: {  	_ =	shalt  }
0x52: {  	_ =	shalt  }
0x53: {  	_ =	shalt  }
0x54: {  	_ =	shalt  }
0x55: {  	_ =	shalt  }
0x56: {  	_ =	shalt  }
0x57: {  	_ =	shalt  }
0x58: {  	_ =	shalt  }
0x59: {  	_ =	shalt  }
0x5a: {  	_ =	shalt  }
0x5b: {  	_ =	shalt  }
0x5c: {  	_ =	shalt  }
0x5d: {  	_ =	shalt  }
0x5e: {  	_ =	shalt  }
0x5f: {  	_ =	shalt  }
0x60: {  	_ =	shalt  }
0x61: {  	_ =	shalt  }
0x62: {  	_ =	shalt  }
0x63: {  	_ =	shalt  }
0x64: {  	_ =	shalt  }
0x65: {  	_ =	shalt  }
0x66: {  	_ =	shalt  }
0x67: {  	_ =	shalt  }
0x68: {  	_ =	shalt  }
0x69: {  	_ =	shalt  }
0x6a: {  	_ =	shalt  }
0x6b: {  	_ =	shalt  }
0x6c: {  	_ =	shalt  }
0x6d: {  	_ =	shalt  }
0x6e: {  	_ =	shalt  }
0x6f: {  	_ =	shalt  }
0x70: {  	_ =	shalt  }
0x71: {  	_ =	shalt  }
0x72: {  	_ =	shalt  }
0x73: {  	_ =	shalt  }
0x74: {  	_ =	shalt  }
0x75: {  	_ =	shalt  }
0x76: {  	_ =	shalt  }
0x77: {  	_ =	shalt  }
0x78: {  	_ =	shalt  }
0x79: {  	_ =	shalt  }
0x7a: {  	_ =	shalt  }
0x7b: {  	_ =	shalt  }
0x7c: {  	_ =	shalt  }
0x7d: {  	_ =	shalt  }
0x7e: {  	_ =	shalt  }
0x7f: {  	_ =	shalt  }
0x80: {  	_ =	shalt  }
0x81: {  	_ =	shalt  }
0x82: {  	_ =	shalt  }
0x83: {  	_ =	shalt  }
0x84: {  	_ =	shalt  }
0x85: {  	_ =	shalt  }
0x86: {  	_ =	shalt  }
0x87: {  	_ =	shalt  }
.Lfunc_end0:
.L_simem_size_0:
called_computation_lowered:
.L_overlay_start_0:
0x88: {  	s2 =	sld [smem:$0x3FD9]  }
0x89: {  	s3 =	sld [smem:$0x3FFE];
	_ =	sdelay $0x1  }
0x8a: {  	s1 =	srdreg.scid  }
0x8b: {  	s0 =	sand.u32 $0x1, s1  }
0x8c: {  	s17 =	sshll.u32 s0, $0xA;
	s2 =	sadd.s32 s3, s2  }
0x8d: {  	s2 =	sadd.s32 s2, s17  }
0x8e: {  	[smem:$0x3FC0] =	sst s2  }
0x8f: {  	_ = 	snop  }
0x90: {  	(tm) =	ssettm $0x1  }
0x91: {  	s18 =	sld [smem:$0x3FFB];
	_ =	sdelay $0x3  }
0x92: {  	_ =	strace s18  }
0x93: {  	s2 =	sld [smem:$0x3FFC];
	_ =	sdelay $0x3  }
0x94: {  	_ =	strace s2  }
0x95: {  	s2 =	sld [smem:$0x3FFD];
	_ =	sdelay $0x3  }
0x96: {  	_ =	strace s2  }
0x97: {  	_ =	strace $0x8FFFFFFF  }
0x98: {  	s19 =	sld [smem:$0x3FDB];
	_ =	sdelay $0x1  }
0x99: {  	s20 =	simm.s32 $_scs_section_size  }
0x9a: {  	s4 =	simm.s32 $_size__tile_overlayer_lowered;
	s5 =	simm.s32 $_tile_overlayer_lowered  }
0x9b: {  	s6 =	simm.s32 $0x1BFF;
	s21 =	sshll.u32 s5, $0x1;
	s3 =	sadd.s32 s20, s19  }
0x9c: {  	s22 =	simm.s32 $0x0;
	s4 =	sshll.u32 s4, $0x1;
	s5 =	sadd.s32 s21, s3  }
0x9d: {  	[timem:s22], [sflag:s6] =	dma.local [hbm:s5], s4  }
0x9e: {  	_ =	swait.ge [sflag:s6], s4  }
0x9f: {  	s4 =	ssub.s32 $0x0, s4;
	[sflag:s6] =	ssyncset.done $0x0  }
0xa0: {  	[sflag:s6] =	ssyncadd.s32 s4;
	_ =	sdelay $0x1  }
0xa1: {  	s23 =	simm.s32 $0x1B8B  }
0xa2: {  	_ =	swait.ge [sflag:s23], $0x1  }
0xa3: {  	[sflag:s23] =	ssyncset.done $0x0  }
0xa4: {  	[sflag:s23] =	ssyncadd.s32 $0xFFFFFFFF  }
0xa5: {  	s4 =	sld [smem:$0x0]  }
0xa6: {  	s5 =	sand.u32 $0xFFFFFFFE, s1  }
0xa7: {  	p0 =	sne.s32 s1, s5  }
0xa8: {  	s5 =	sshll.u32 @p0 s5, $0xE  }
0xa9: {  	s5 =	sadd.s32 @p0 $0x11B8D, s5;
	s6 =	sshll.u32 @p0 s4, $0x11  }
0xaa: {  	s5 =	sor.u32 @p0 s6, s5  }
0xab: {  	[sflag:s5] =	ssyncadd.remote.s32 @p0 $0x1;
	_ =	sdelay $0x1  }
0xac: {  	s5 =	simm.s32 @p0 $0x1B8D  }
0xad: {  	_ =	swait.eq @p0 [sflag:s5], $0x1  }
0xae: {  	[sflag:s5] =	ssyncadd.s32 @p0 $0xFFFFFFFF  }
0xaf: {  	s6 =	sshll.u32 @!p0 s1, $0xE  }
0xb0: {  	s6 =	sor.u32 @!p0 $0x4000, s6;
	s5 =	simm.s32 @!p0 $0x1B8D  }
0xb1: {  	s4 =	sshll.u32 @!p0 s4, $0x11;
	s6 =	sadd.s32 @!p0 $0x11B8D, s6;
	_ =	swait.eq @!p0 [sflag:s5], $0x1  }
0xb2: {  	s4 =	sor.u32 @!p0 s4, s6;
	[sflag:s5] =	ssyncadd.s32 @!p0 $0xFFFFFFFF  }
0xb3: {  	s25 =	simm.s32 $0x1B8E;
	s24 =	sld [smem:$0x3FFE];
	[sflag:s4] =	ssyncadd.remote.s32 @!p0 $0x1  }
0xb4: {  	s26 =	simm.s32 $execute0_lowered;
	[smem:$0x3FD2] =	sst s25  }
0xb5: {  	s5 =	sshll.u32 s26, $0x1;
	_ =	strace $0x80000049;
	[dreg:$0x1] =	wrdreg $0xFFFFFFFF  }
0xb6: {  	s28 =	simm.s32 $_size_execute0_lowered;
	s3 =	sadd.s32 s3, s5;
	[dreg:$0x0] =	wrdreg $0x0  }
0xb7: {  	s5 =	sshll.u32 s28, $0x1;
	[dreg:$0x2] =	wrdreg s3  }
0xb8: {  	[dreg:$0x3] =	wrdreg s5  }
0xb9: {  	[dreg:$0x4] =	wrdreg $0xC0  }
0xba: {  	_ =	task [dreg:s22], $0x5FFFF  }
0xbb: {  	[dreg:$0x1] =	wrdreg $0xFFFFFFFF  }
0xbc: {  	[dreg:$0x0] =	wrdreg $0x60  }
0xbd: {  	[dreg:$0x2] =	wrdreg s24  }
0xbe: {  	[dreg:$0x3] =	wrdreg $0x0  }
0xbf: {  	[dreg:$0x4] =	wrdreg $0x9  }
0xc0: {  	_ =	task.clear_ibuf [dreg:s22], $0x5FFFF;
	_ =	strace $0x90000049  }
0xc1: {  	s29 =	simm.s32 $0x9;
	_ =	strace $0x8000004B  }
0xc2: {  	_ =	swait.ge [sflag:s29], $0x1  }
0xc3: {  	[sflag:s29] =	ssyncadd.s32 $0xFFFFFFFF  }
0xc4: {  	_ =	strace $0x9000004B  }
0xc5: {  	_ =	sfence  }
0xc6: {  	s30 =	sld [smem:$0x0];
	_ =	sdelay $0x2  }
0xc7: {  	s31 =	sshll.u32 s1, $0xD;
	s1 =	sshrl.u32 s1, $0x2  }
0xc8: {  	s4 =	sand.u32 $0x4000, s31;
	s1 =	sadd.s32 s1, s30  }
0xc9: {  	s0 =	sor.u32 s4, s0;
	s1 =	sshll.u32 s1, $0x11  }
0xca: {  	s0 =	sor.u32 s1, s0  }
0xcb: {  	s0 =	sadd.s32 $0x8F2B, s0  }
0xcc: {  	[sflag:s0] =	ssyncadd.remote.s32 $0x1  }
0xcd: {  	_ =	sfence.sel $0xFFFF  }
0xce: {  	[dreg:$0x0] =	wrdreg $0xFFFFFFFF;
	(pc) =	sbr.abs _section_cstart, $3  }
0xcf: {  	[dreg:$0x1] =	wrdreg $0xFFFFFFFF  }
0xd0: {  	_ =	task.clear_ibuf [dreg:s22], $0x2FFFF;
	_ =	strace $0x9FFFFFFF  }
0xd1: {  	(tm) =	ssettm $0x7FFFFFFF  }
tec
execute0_lowered:
.L_overlay_start_1:
0x0: {  	(tag) =	ssettag $0x1  }
0x1: {  	s1 =	srdreg.scid;
	s7 =	rddreg [dreg:$0x0]  }
0x2: {  	s0 =	stileid.u32;
	s2 =	rddreg [dreg:$0x1]  }
0x3: {  	s3 =	simm.s32 $0x0;
	s13 =	simm.s32 $0x14000;
	s14 =	simm.s32 $0x80  }
0x4: {  	s15 =	simm.s32 $0x0;
	s6 =	sand.u32 $0x1, s1;
	s8 =	smul.u32 $0x14000, s0  }
0x5: {  	s30 =	sshll.u32 s0, $0x1;
	[smem:$0x7FF] =	sst s3;
	s10 =	smul.u32 $0x50000, s0  }
0x6: {  	s11 =	sshll.u32 s0, $0x6;
	s1 =	sor.u32 s6, s30;
	s5 =	smul.u32 $0x140000, s6  }
0x7: {  	s6 =	ssub.s32 $0x2, s6;
	s4 =	smul.u32 $0x500, s1;
	s1 =	rddreg [dreg:$0x2]  }
0x8: {  	_ =	strace $0x8000004A;
	s31 =	sshrl.u32 s6, $0x1;
	s10 =	sshrl.u32 s10, $0x2  }
0x9: {  	s5 =	sadd.s32 s8, s5;
	s12 =	ssub.s32 s6, s31;
	s10 =	sadd.s32 s10, s2  }
0xa: {  	s6 =	sor.u32 $0x1C01, s11;
	s11 =	simm.s32 $0x1;
	s9 =	sadd.s32 s4, s7  }
0xb: {  	s4 =	sadd.s32 $0x1FE00, s7;
	s8 =	sshrl.u32 s5, $0x3;
	s5 =	sadd.s32 $0x72600, s7  }
0xc: {  	s10 =	sshrl.u32 s10, $0x3;
	s8 =	sadd.s32 s8, s7;
	s7 =	sadd.s32 $0xBE00, s9  }
0xd: {  	s9 =	smax.u32 s12, $0x1;
	s12 =	simm.s32 $0x16800;
	s8 =	sadd.s32 $0x72E00, s8  }
.LBB2_1:
0xe: {  	[spmem:s10], [sflag:s6] =	dma.local [hbm:s4], $0x2800  }
0xf: {  	_ =	swait.ge [sflag:s11], $0x2800  }
0x10: {  	[sflag:s11] =	ssyncset.done $0x0  }
0x11: {  	[sflag:s11] =	ssyncadd.s32 $0xFFFFD800  }
0x12: {  	[bflag:$0x0] =	sbarrier.arrive $0xFFFF  }
0x13: {  	[tilespmem:s12], [sflag:$0x1] =	stream.linear.gather [hbm4b:s5+s3], $0x4000, $0x38;
	[tilespmem:$0x1A800] =	vst v63  }
0x14: {  	_ =	swait.ge [sflag:s11], $0x4000  }
0x15: {  	[sflag:s11] =	ssyncset.done $0x0  }
0x16: {  	[sflag:s11] =	ssyncadd.s32 $0xFFFFC000  }
0x17: {  	[tilespmem:s13], [sflag:$0x1] =	stream.linear.gather [hbm4b:s7+s3], $0x2800, $0x38;
	[tilespmem:$0x1A800] =	vst v63  }
0x18: {  	_ =	swait.ge [sflag:s11], $0x2800  }
0x19: {  	[sflag:s11] =	ssyncset.done $0x0  }
0x1a: {  	s16 =	simm.s32 $0x14000;
	[sflag:s11] =	ssyncadd.s32 $0xFFFFD800  }
0x1b: {  	[spmem:s2] =	stream.indirect.scatter.add.f32 [tilespmem:s12], [sflag:$0x1], $0x80, s16, s14, $0xb8;
	[tilespmem:$0x1A800] =	vst v63  }
0x1c: {  	s16 =	simm.s32 $0x200;
	_ =	swait.ge [sflag:s11], $0x4000  }
.LBB2_2:
0x1d: {  	s17 =	sshra.s32 s16, $0x2;
	[sflag:s11] =	ssyncset.done $0x0;
	p0 =	sne.s32 s16, $0x9E00  }
.Ltmp0:
0x1e: {  	s17 =	sadd.s32 $0x14000, s17;
	[sflag:s11] =	ssyncadd.s32 $0xFFFFC000;
	(pc) =	sbr.rel @p0 .LBB2_2-.Ltmp0, $3  }
0x1f: {  	[spmem:s2] =	stream.indirect.scatter.add.f32 [tilespmem:s12], [sflag:$0x1], $0x80, s17, s14, $0xb8;
	[tilespmem:$0x1A800] =	vst v63  }
0x20: {  	s16 =	sadd.s32 $0x200, s16;
	_ =	sdelay $0x1  }
0x21: {  	_ =	swait.ge [sflag:s11], $0x4000  }
0x22: {  	[sflag:s11] =	ssyncset.done $0x0;
	s15 =	sadd.s32 $0x1, s15  }
0x23: {  	[sflag:s11] =	ssyncadd.s32 $0xFFFFC000;
	p0 =	sne.s32 s15, s9  }
.Ltmp1:
0x24: {  	[bflag:$0x0] =	sbarrier.arrive $0xFFFF;
	(pc) =	sbr.rel @p0 .LBB2_1-.Ltmp1, $4  }
0x25: {  	[hbm:s8], [sflag:s6] =	dma.local [spmem:s10], $0x2800  }
0x26: {  	_ =	swait.ge [sflag:s11], $0x2800  }
0x27: {  	[sflag:s11] =	ssyncset.done $0x0  }
0x28: {  	[sflag:s11] =	ssyncadd.s32 $0xFFFFD800  }
0x29: {  	_ =	sfence.sel $0x180000  }
0x2a: {  	[bflag:$0x0] =	sbarrier.arrive $0xFFFF  }
0x2b: {  	p0 =	sne.s32 s0, $0x0;
	_ =	strace $0x9000004A  }
0x2c: {  	s0 =	sadd.s32 @!p0 $0x100000, s1;
	[bflag:$0x2] =	sbarrier.arrive $0xFFFF  }
0x2d: {  	[sflag:s0] =	ssyncadd.tile.s32 @!p0 $0x1;
	_ =	shalt  }
.Lfunc_end2:
_tile_overlayer_lowered:
.L_overlay_start_2:
0x2e: {  	(tag) =	ssettag $0x2  }
0x2f: {  	s0 =	rddreg [dreg:$0x0];
	s2 =	stileid.u32  }
0x30: {  	s1 =	rddreg [dreg:$0x1];
	p0 =	sne.s32 s2, $0x0  }
0x31: {  	s3 =	rddreg [dreg:$0x2];
	[bflag:$0x3] =	sbarrier.arrive $0xFFFF;
	s2 =	simm.s32 @!p0 $0x1C01  }
0x32: {  	[timem:s3], [sflag:s2] =	dma.local @!p0 [hbm:s0], s1  }
0x33: {  	s0 =	simm.s32 @!p0 $0x1  }
0x34: {  	_ =	swait.ge @!p0 [sflag:s0], s1  }
0x35: {  	s1 =	ssub.s32 @!p0 $0x0, s1;
	[sflag:s0] =	ssyncset.done @!p0 $0x0  }
0x36: {  	[sflag:s0] =	ssyncadd.s32 @!p0 s1  }
0x37: {  	[bflag:$0x3] =	sbarrier.arrive $0xFFFF  }
0x38: {  	_ =	shalt  }

</sc_bundles>
